<compile_context>
chip_gen: v7x
topology: tpu7x:2x2x1
jax: 0.10.2.dev20260603
libtpu: 0.0.44.dev20260713+nightly
codegen_flags: <defaults>
</compile_context>

<pallas_src>
import functools

import jax
import jax.numpy as jnp
from jax import lax
from jax.experimental import pallas as pl
from jax.experimental.pallas import tpu as pltpu
from jax.experimental.pallas import tpu_sc as plsc

D_MODEL = 768
NUM_EXPERTS = 64
EXPERT_DIM = 256
CAP = 128
N_TOKENS = 2048
TBLK = 256
NB = N_TOKENS // TBLK
S_SLOTS = NUM_EXPERTS * CAP

NC = 2
NS = 16
L = 16
NW = NC * NS
SLOTS_PER_W = S_SLOTS // NW
GCHUNK = 128
GSUB = 32
TOK_PER_W = N_TOKENS // NW


def _router_body(x_ref, gw_ref, bias_ref, pcode_ref, wgt_ref, cnt_out_ref,
                 cnt_ref):
    b = pl.program_id(0)

    @pl.when(b == 0)
    def _():
        cnt_ref[...] = jnp.zeros_like(cnt_ref)

    xb = x_ref[...]
    gw = gw_ref[...]
    logits = lax.dot_general(xb, gw, (((1,), (1,)), ((), ())),
                             preferred_element_type=jnp.float32)
    logits = logits + bias_ref[...]
    m = jnp.max(logits, axis=1, keepdims=True)
    s = jnp.sum(jnp.exp(logits - m), axis=1)
    p = 1.0 / s
    w = p / (p + 1e-8)

    col = lax.broadcasted_iota(jnp.int32, (TBLK, NUM_EXPERTS), 1)
    sel = jnp.min(jnp.where(logits == m, col, NUM_EXPERTS), axis=1)
    onehot = (col == sel[:, None]).astype(jnp.float32)

    c = onehot
    d = 1
    while d < TBLK:
        shifted = jnp.concatenate(
            [jnp.zeros((d, NUM_EXPERTS), jnp.float32), c[: TBLK - d]], axis=0)
        c = c + shifted
        d *= 2

    run = cnt_ref[...]
    rank = jnp.sum(onehot * (c + run), axis=1) - 1.0
    new_run = run + jnp.sum(onehot, axis=0, keepdims=True)
    cnt_ref[...] = new_run
    cnt_out_ref[...] = new_run.astype(jnp.int32)

    rank_i = rank.astype(jnp.int32)
    pcode = sel * N_TOKENS + rank_i
    wgt = jnp.where(rank_i >= CAP, 0.0, w)
    pcode_ref[...] = pcode.reshape(1, 1, TBLK)
    wgt_ref[...] = wgt.reshape(1, 1, TBLK)


def _router(xf, gate_w, expert_bias):
    pcode3, wgt3, cnt = pl.pallas_call(
        _router_body,
        grid=(NB,),
        in_specs=[
            pl.BlockSpec((TBLK, D_MODEL), lambda b: (b, 0)),
            pl.BlockSpec((NUM_EXPERTS, D_MODEL), lambda b: (0, 0)),
            pl.BlockSpec((1, NUM_EXPERTS), lambda b: (0, 0)),
        ],
        out_specs=[
            pl.BlockSpec((1, 1, TBLK), lambda b: (b, 0, 0)),
            pl.BlockSpec((1, 1, TBLK), lambda b: (b, 0, 0)),
            pl.BlockSpec((1, NUM_EXPERTS), lambda b: (0, 0)),
        ],
        out_shape=[
            jax.ShapeDtypeStruct((NB, 1, TBLK), jnp.int32),
            jax.ShapeDtypeStruct((NB, 1, TBLK), jnp.float32),
            jax.ShapeDtypeStruct((1, NUM_EXPERTS), jnp.int32),
        ],
        scratch_shapes=[pltpu.VMEM((1, NUM_EXPERTS), jnp.float32)],
    )(xf, gate_w, expert_bias.reshape(1, NUM_EXPERTS))
    return (pcode3.reshape(N_TOKENS), wgt3.reshape(N_TOKENS),
            cnt.reshape(NUM_EXPERTS))


def _dispatch_body(pcode_hbm, cnt_hbm, x_hbm, xs_hbm, slot_hbm,
                   pos_v, cnt_v, tok0_v, tok1_v, slot_v, rows_v, sem):
    wid = lax.axis_index("s") * NC + lax.axis_index("c")
    base = wid * SLOTS_PER_W
    pltpu.sync_copy(pcode_hbm, pos_v)
    pltpu.sync_copy(cnt_hbm, cnt_v)

    lanes = lax.broadcasted_iota(jnp.int32, (L,), 0)

    for j in range(GCHUNK // L):
        fill = (base + j * L + lanes) & (N_TOKENS - 1)
        tok0_v[pl.ds(j * L, L)] = fill
        tok1_v[pl.ds(j * L, L)] = (fill + GCHUNK) & (N_TOKENS - 1)

    def scatter_step(i, carry):
        pc = pos_v[pl.ds(i * L, L)]
        sel = pc >> 11
        rank = pc & (N_TOKENS - 1)
        valid = rank < CAP
        slot = sel * CAP + rank
        slot_v[pl.ds(i * L, L)] = jnp.where(valid, slot, 0)
        rel = slot - base
        m0 = valid & (rel >= 0) & (rel < GCHUNK)
        m1 = valid & (rel >= GCHUNK) & (rel < SLOTS_PER_W)
        toks = lanes + i * L
        plsc.store_scatter(tok0_v, [jnp.where(m0, rel, 0)], toks, mask=m0)
        plsc.store_scatter(tok1_v, [jnp.where(m1, rel - GCHUNK, 0)], toks,
                           mask=m1)
        return carry

    lax.fori_loop(0, N_TOKENS // L, scatter_step, 0)

    @pl.when(wid == 0)
    def _():
        pltpu.sync_copy(slot_v, slot_hbm)

    for c, tok_v in enumerate((tok0_v, tok1_v)):
        cnt_e = jnp.max(plsc.load_gather(
            cnt_v, [jnp.broadcast_to(2 * wid + c, (L,))]))
        cnt_e = jnp.minimum(cnt_e, CAP)
        for q in range(GCHUNK // GSUB):
            @pl.when(q * GSUB < cnt_e)
            def _():
                pltpu.async_copy(
                    x_hbm.at[tok_v.at[pl.ds(q * GSUB, GSUB)]],
                    rows_v, sem).wait()
                pltpu.sync_copy(
                    rows_v,
                    xs_hbm.at[pl.ds(base + c * GCHUNK + q * GSUB, GSUB)])


def _dispatch(pcode, counts, xf):
    mesh = plsc.VectorSubcoreMesh(core_axis_name="c", subcore_axis_name="s")
    f = functools.partial(
        pl.kernel,
        mesh=mesh,
        out_type=(
            jax.ShapeDtypeStruct((S_SLOTS, D_MODEL), jnp.float32),
            jax.ShapeDtypeStruct((N_TOKENS,), jnp.int32),
        ),
        compiler_params=pltpu.CompilerParams(needs_layout_passes=False),
        scratch_types=[
            pltpu.VMEM((N_TOKENS,), jnp.int32),
            pltpu.VMEM((NUM_EXPERTS,), jnp.int32),
            pltpu.VMEM((GCHUNK,), jnp.int32),
            pltpu.VMEM((GCHUNK,), jnp.int32),
            pltpu.VMEM((N_TOKENS,), jnp.int32),
            pltpu.VMEM((GSUB, D_MODEL), jnp.float32),
            pltpu.SemaphoreType.DMA,
        ],
    )(_dispatch_body)
    return f(pcode, counts, xf)


def _experts_body(xs_ref, wg_ref, wv_ref, wo_ref, h_ref):
    xe = xs_ref[...]
    wg = wg_ref[0]
    wv = wv_ref[0]
    wo = wo_ref[0]
    g = lax.dot_general(xe, wg, (((1,), (1,)), ((), ())),
                        preferred_element_type=jnp.float32)
    v = lax.dot_general(xe, wv, (((1,), (1,)), ((), ())),
                        preferred_element_type=jnp.float32)
    u = (g / (1.0 + jnp.exp(-g))) * v
    h_ref[...] = lax.dot_general(u, wo, (((1,), (1,)), ((), ())),
                                 preferred_element_type=jnp.float32)


def _experts(xs, w_gate, w_value, w_out):
    return pl.pallas_call(
        _experts_body,
        grid=(NUM_EXPERTS,),
        in_specs=[
            pl.BlockSpec((CAP, D_MODEL), lambda e: (e, 0)),
            pl.BlockSpec((1, EXPERT_DIM, D_MODEL), lambda e: (e, 0, 0)),
            pl.BlockSpec((1, EXPERT_DIM, D_MODEL), lambda e: (e, 0, 0)),
            pl.BlockSpec((1, D_MODEL, EXPERT_DIM), lambda e: (e, 0, 0)),
        ],
        out_specs=pl.BlockSpec((CAP, D_MODEL), lambda e: (e, 0)),
        out_shape=jax.ShapeDtypeStruct((S_SLOTS, D_MODEL), jnp.float32),
        compiler_params=pltpu.CompilerParams(
            dimension_semantics=("arbitrary",)),
    )(xs, w_gate, w_value, w_out)


def _combine_body(slot_hbm, wgt_hbm, h_hbm, out_hbm, pos_v, wgt_v, rows_v, sem):
    wid = lax.axis_index("s") * NC + lax.axis_index("c")
    tb = wid * TOK_PER_W
    pltpu.sync_copy(slot_hbm.at[pl.ds(tb, TOK_PER_W)], pos_v)
    pltpu.sync_copy(wgt_hbm.at[pl.ds(tb, TOK_PER_W)], wgt_v)
    pltpu.async_copy(h_hbm.at[pos_v], rows_v, sem).wait()

    def scale_row(i, carry):
        wv = plsc.load_gather(wgt_v, [jnp.broadcast_to(i, (L,))])
        for j in range(D_MODEL // L):
            sl = pl.ds(j * L, L)
            rows_v[i, sl] = rows_v[i, sl] * wv
        return carry

    lax.fori_loop(0, TOK_PER_W, scale_row, 0)
    pltpu.sync_copy(rows_v, out_hbm.at[pl.ds(tb, TOK_PER_W)])


def _combine(slot, wgt, h):
    mesh = plsc.VectorSubcoreMesh(core_axis_name="c", subcore_axis_name="s")
    f = functools.partial(
        pl.kernel,
        mesh=mesh,
        out_type=jax.ShapeDtypeStruct((N_TOKENS, D_MODEL), jnp.float32),
        compiler_params=pltpu.CompilerParams(needs_layout_passes=False),
        scratch_types=[
            pltpu.VMEM((TOK_PER_W,), jnp.int32),
            pltpu.VMEM((TOK_PER_W,), jnp.float32),
            pltpu.VMEM((TOK_PER_W, D_MODEL), jnp.float32),
            pltpu.SemaphoreType.DMA,
        ],
    )(_combine_body)
    return f(slot, wgt, h)


def kernel(x, gate_w, expert_bias, w_gate, w_value, w_out):
    B_, T_, D_ = x.shape
    xf = x.reshape(T_ * B_, D_)
    pcode, wgt, counts = _router(xf, gate_w, expert_bias)
    xs, slot = _dispatch(pcode, counts, xf)
    h = _experts(xs, w_gate, w_value, w_out)
    out = _combine(slot, wgt, h)
    return out.reshape(B_, T_, D_)

# --- scband reference (transcript-rebuilt; emitter-appended) ---
"""Pipeline reference for scband-mo-effn-8564164788846 (READ-ONLY COPY).

The authoritative reference and input builder live on the scoring server;
editing this copy changes nothing except your own understanding.
"""

import jax, jax.numpy as jnp
import numpy as np

D_MODEL = 768
NUM_EXPERTS = 64
TOP_K = 1
EXPERT_DIM = 256
B = 1
T = 2048
CAP = 128  # expected tokens/expert = 2048/64 = 32; CAP=128 gives >10-sigma headroom, no drops


def setup_inputs(seed: int = 0) -> dict:
    key = jax.random.key(seed)
    ks = jax.random.split(key, 6)
    x = jax.random.normal(ks[0], (B, T, D_MODEL), dtype=jnp.float32)
    gate_w = jax.random.normal(ks[1], (NUM_EXPERTS, D_MODEL), dtype=jnp.float32) * 0.02
    expert_bias = jnp.zeros((NUM_EXPERTS,), dtype=jnp.float32)
    w_gate = jax.random.normal(ks[2], (NUM_EXPERTS, EXPERT_DIM, D_MODEL), dtype=jnp.float32) * 0.02
    w_value = jax.random.normal(ks[3], (NUM_EXPERTS, EXPERT_DIM, D_MODEL), dtype=jnp.float32) * 0.02
    w_out = jax.random.normal(ks[4], (NUM_EXPERTS, D_MODEL, EXPERT_DIM), dtype=jnp.float32) * (0.02 / np.sqrt(2.0))
    return {"x": x, "gate_w": gate_w, "expert_bias": expert_bias, "w_gate": w_gate, "w_value": w_value, "w_out": w_out}


def reference(x, gate_w, expert_bias, w_gate, w_value, w_out):
    # MoEFFN forward, eval mode: no jitter noise, no EMA bias update, metrics=None,
    # num_shared_experts=0, dropout=0.
    B_, T_, D_ = x.shape
    xf = x.reshape(-1, D_)
    N = xf.shape[0]
    # Router
    logits = xf @ gate_w.T + expert_bias[None, :]
    probs = jax.nn.softmax(logits, axis=-1)
    weights, sel = jax.lax.top_k(probs, TOP_K)  # [N, k]
    weights = weights / (jnp.sum(weights, axis=-1, keepdims=True) + 1e-8)
    # Dispatch/combine via per-expert gather with static capacity
    flat_sel = sel.reshape(-1)      # [N*k]
    flat_w = weights.reshape(-1)    # [N*k]
    tok_ids = jnp.repeat(jnp.arange(N), TOP_K)  # [N*k]
    A = N * TOP_K
    out = jnp.zeros_like(xf)
    num_experts = gate_w.shape[0]

    def expert_body(out, xs):
        e, wg_e, wv_e, wo_e = xs
        mask = flat_sel == e
        idx = jnp.nonzero(mask, size=CAP, fill_value=A)[0]
        valid = idx < A
        idx_c = jnp.minimum(idx, A - 1)
        toks = tok_ids[idx_c]
        xe = jnp.take(xf, toks, axis=0)  # [CAP, D]
        g = jax.nn.silu(xe @ wg_e.T)  # SwiGLU gate
        v = xe @ wv_e.T
        h = (g * v) @ wo_e.T           # [CAP, D]
        wgt = jnp.where(valid, jnp.take(flat_w, idx_c), 0.0)
        out = out.at[toks].add(h * wgt[:, None])
        return out, None

    out, _ = jax.lax.scan(
        expert_body, out,
        (jnp.arange(num_experts), w_gate, w_value, w_out),
    )
    return out.reshape(B_, T_, D_)

if __name__ == "__main__":
    import jax
    _d = setup_inputs()
    print(jax.jit(kernel)(*tuple(_d.values())))

</pallas_src>

<mosaic_0001>
#map = affine_map<(d0, d1) -> (0)>
#map1 = affine_map<(d0, d1) -> (0, 0)>
module attributes {stable_mosaic.version = 14 : i64} {
  func.func @_combine_body(%arg0: i32, %arg1: i32, %arg2: memref<2048xi32, #tpu.memory_space<hbm>>, %arg3: memref<2048xf32, #tpu.memory_space<hbm>>, %arg4: memref<8192x768xf32, #tpu.memory_space<hbm>>, %arg5: memref<2048x768xf32, #tpu.memory_space<hbm>>, %arg6: memref<64xi32, #tpu.memory_space<vmem>>, %arg7: memref<64xf32, #tpu.memory_space<vmem>>, %arg8: memref<64x768xf32, #tpu.memory_space<vmem>>, %arg9: memref<!tpu.dma_semaphore, #tpu.memory_space<semaphore_mem>>) attributes {dimension_semantics = [#tpu.dimension_semantics<core_parallel>, #tpu.dimension_semantics<subcore_parallel>], iteration_bounds = array<i64: 2, 16>, scalar_prefetch = 0 : i64, scratch_operands = 4 : i64, tpu.core_type = #tpu.core_type<sc_vector_subcore>, window_params = [{transform_indices = #map}, {transform_indices = #map}, {transform_indices = #map1}, {transform_indices = #map1}]} {
    %mul3A = arith.constant 2 : i32
    %mul3A_0 = arith.muli %arg1, %mul3A : i32
    %add3A = arith.addi %mul3A_0, %arg0 : i32
    %mul3A_1 = arith.constant 64 : i32
    %mul3A_2 = arith.muli %add3A, %mul3A_1 : i32
    "tpu.region"() ({
      %run_scoped3A = tpu.sem_alloc : memref<!tpu.dma_semaphore, #tpu.memory_space<semaphore_mem>>
      %dma_start3A_12 = tpu.memref_slice %arg2[%mul3A_2] : memref<2048xi32, #tpu.memory_space<hbm>> -> memref<64xi32, #tpu.memory_space<hbm>>
      %dma_start3A_13 = tpu.memref_slice %arg2[%mul3A_2] : memref<2048xi32, #tpu.memory_space<hbm>> -> memref<64xi32, #tpu.memory_space<hbm>>
      tpu.enqueue_dma source(%dma_start3A_13 : memref<64xi32, #tpu.memory_space<hbm>>) target(%arg6 : memref<64xi32, #tpu.memory_space<vmem>>) target_semaphore(%run_scoped3A : memref<!tpu.dma_semaphore, #tpu.memory_space<semaphore_mem>>)
      %dma_wait3A_14 = tpu.memref_slice %arg2[%mul3A_2] : memref<2048xi32, #tpu.memory_space<hbm>> -> memref<64xi32, #tpu.memory_space<hbm>>
      %dma_wait3A_15 = tpu.memref_slice %arg2[%mul3A_2] : memref<2048xi32, #tpu.memory_space<hbm>> -> memref<64xi32, #tpu.memory_space<hbm>>
      tpu.wait_dma2 semaphore(%run_scoped3A : memref<!tpu.dma_semaphore, #tpu.memory_space<semaphore_mem>>) src(%dma_wait3A_15 : memref<64xi32, #tpu.memory_space<hbm>>) dst(%arg6 : memref<64xi32, #tpu.memory_space<vmem>>)
      tpu.yield
    }) : () -> ()
    "tpu.region"() ({
      %run_scoped3A = tpu.sem_alloc : memref<!tpu.dma_semaphore, #tpu.memory_space<semaphore_mem>>
      %dma_start3A_12 = tpu.memref_slice %arg3[%mul3A_2] : memref<2048xf32, #tpu.memory_space<hbm>> -> memref<64xf32, #tpu.memory_space<hbm>>
      %dma_start3A_13 = tpu.memref_slice %arg3[%mul3A_2] : memref<2048xf32, #tpu.memory_space<hbm>> -> memref<64xf32, #tpu.memory_space<hbm>>
      tpu.enqueue_dma source(%dma_start3A_13 : memref<64xf32, #tpu.memory_space<hbm>>) target(%arg7 : memref<64xf32, #tpu.memory_space<vmem>>) target_semaphore(%run_scoped3A : memref<!tpu.dma_semaphore, #tpu.memory_space<semaphore_mem>>)
      %dma_wait3A_14 = tpu.memref_slice %arg3[%mul3A_2] : memref<2048xf32, #tpu.memory_space<hbm>> -> memref<64xf32, #tpu.memory_space<hbm>>
      %dma_wait3A_15 = tpu.memref_slice %arg3[%mul3A_2] : memref<2048xf32, #tpu.memory_space<hbm>> -> memref<64xf32, #tpu.memory_space<hbm>>
      tpu.wait_dma2 semaphore(%run_scoped3A : memref<!tpu.dma_semaphore, #tpu.memory_space<semaphore_mem>>) src(%dma_wait3A_15 : memref<64xf32, #tpu.memory_space<hbm>>) dst(%arg7 : memref<64xf32, #tpu.memory_space<vmem>>)
      tpu.yield
    }) : () -> ()
    %dma_start3A = arith.constant 0 : i32
    %dma_start3A_3 = arith.constant 0 : i32
    %dma_start3A_4 = tpu.memref_slice %arg4[%dma_start3A, %dma_start3A_3] : memref<8192x768xf32, #tpu.memory_space<hbm>> -> memref<8192x768xf32, #tpu.memory_space<hbm>>
    tpu.enqueue_indirect_dma source(%dma_start3A_4 : memref<8192x768xf32, #tpu.memory_space<hbm>>) target(%arg8 : memref<64x768xf32, #tpu.memory_space<vmem>>) offsets(%arg6 : memref<64xi32, #tpu.memory_space<vmem>>) semaphore(%arg9 : memref<!tpu.dma_semaphore, #tpu.memory_space<semaphore_mem>>)
    %dma_wait3A = arith.constant 0 : i32
    %dma_wait3A_5 = arith.constant 0 : i32
    %dma_wait3A_6 = tpu.memref_slice %arg4[%dma_wait3A, %dma_wait3A_5] : memref<8192x768xf32, #tpu.memory_space<hbm>> -> memref<8192x768xf32, #tpu.memory_space<hbm>>
    tpu.wait_indirect_dma semaphore(%arg9 : memref<!tpu.dma_semaphore, #tpu.memory_space<semaphore_mem>>) src(%dma_wait3A_6 : memref<8192x768xf32, #tpu.memory_space<hbm>>) dst(%arg8 : memref<64x768xf32, #tpu.memory_space<vmem>>)
    %scan3A = arith.constant 0 : i32
    %scan3A_7 = arith.constant 0 : i32
    %scan3A_8 = arith.constant 64 : i32
    %scan3A_9 = arith.addi %scan3A_7, %scan3A_8 : i32
    %scan3A_10 = arith.constant 1 : i32
    scf.for %scan3A_12 = %scan3A_7 to %scan3A_9 step %scan3A_10  : i32 {
      %broadcast_in_dim3A = vector.broadcast %scan3A_12 : i32 to vector<16xi32>
      %gather3A = tpu.vector_load_idx %arg7[%broadcast_in_dim3A] : memref<64xf32, #tpu.memory_space<vmem>>[vector<16xi32>], vector<16xf32>,
      %get3A = arith.index_cast %scan3A_12 : i32 to index
      %get3A_13 = arith.constant 0 : index
      %get3A_14 = tpu.vector_load %arg8[%get3A, %get3A_13] {strides = array<i32>} : memref<64x768xf32, #tpu.memory_space<vmem>>, vector<16xf32>,
      %mul3A_15 = arith.mulf %get3A_14, %gather3A : vector<16xf32>
      %swap3A = arith.index_cast %scan3A_12 : i32 to index
      %swap3A_16 = arith.constant 0 : index
      %swap3A_17 = tpu.vector_load %arg8[%swap3A, %swap3A_16] {strides = array<i32>} : memref<64x768xf32, #tpu.memory_space<vmem>>, vector<16xf32>,
      tpu.vector_store %arg8[%swap3A, %swap3A_16], %mul3A_15 {strides = array<i32>} : memref<64x768xf32, #tpu.memory_space<vmem>>, vector<16xf32>,
      %get3A_18 = arith.index_cast %scan3A_12 : i32 to index
      %get3A_19 = arith.constant 16 : index
      %get3A_20 = tpu.vector_load %arg8[%get3A_18, %get3A_19] {strides = array<i32>} : memref<64x768xf32, #tpu.memory_space<vmem>>, vector<16xf32>,
      %mul3A_21 = arith.mulf %get3A_20, %gather3A : vector<16xf32>
      %swap3A_22 = arith.index_cast %scan3A_12 : i32 to index
      %swap3A_23 = arith.constant 16 : index
      %swap3A_24 = tpu.vector_load %arg8[%swap3A_22, %swap3A_23] {strides = array<i32>} : memref<64x768xf32, #tpu.memory_space<vmem>>, vector<16xf32>,
      tpu.vector_store %arg8[%swap3A_22, %swap3A_23], %mul3A_21 {strides = array<i32>} : memref<64x768xf32, #tpu.memory_space<vmem>>, vector<16xf32>,
      %get3A_25 = arith.index_cast %scan3A_12 : i32 to index
      %get3A_26 = arith.constant 32 : index
      %get3A_27 = tpu.vector_load %arg8[%get3A_25, %get3A_26] {strides = array<i32>} : memref<64x768xf32, #tpu.memory_space<vmem>>, vector<16xf32>,
      %mul3A_28 = arith.mulf %get3A_27, %gather3A : vector<16xf32>
      %swap3A_29 = arith.index_cast %scan3A_12 : i32 to index
      %swap3A_30 = arith.constant 32 : index
      %swap3A_31 = tpu.vector_load %arg8[%swap3A_29, %swap3A_30] {strides = array<i32>} : memref<64x768xf32, #tpu.memory_space<vmem>>, vector<16xf32>,
      tpu.vector_store %arg8[%swap3A_29, %swap3A_30], %mul3A_28 {strides = array<i32>} : memref<64x768xf32, #tpu.memory_space<vmem>>, vector<16xf32>,
      %get3A_32 = arith.index_cast %scan3A_12 : i32 to index
      %get3A_33 = arith.constant 48 : index
      %get3A_34 = tpu.vector_load %arg8[%get3A_32, %get3A_33] {strides = array<i32>} : memref<64x768xf32, #tpu.memory_space<vmem>>, vector<16xf32>,
      %mul3A_35 = arith.mulf %get3A_34, %gather3A : vector<16xf32>
      %swap3A_36 = arith.index_cast %scan3A_12 : i32 to index
      %swap3A_37 = arith.constant 48 : index
      %swap3A_38 = tpu.vector_load %arg8[%swap3A_36, %swap3A_37] {strides = array<i32>} : memref<64x768xf32, #tpu.memory_space<vmem>>, vector<16xf32>,
      tpu.vector_store %arg8[%swap3A_36, %swap3A_37], %mul3A_35 {strides = array<i32>} : memref<64x768xf32, #tpu.memory_space<vmem>>, vector<16xf32>,
      %get3A_39 = arith.index_cast %scan3A_12 : i32 to index
      %get3A_40 = arith.constant 64 : index
      %get3A_41 = tpu.vector_load %arg8[%get3A_39, %get3A_40] {strides = array<i32>} : memref<64x768xf32, #tpu.memory_space<vmem>>, vector<16xf32>,
      %mul3A_42 = arith.mulf %get3A_41, %gather3A : vector<16xf32>
      %swap3A_43 = arith.index_cast %scan3A_12 : i32 to index
      %swap3A_44 = arith.constant 64 : index
      %swap3A_45 = tpu.vector_load %arg8[%swap3A_43, %swap3A_44] {strides = array<i32>} : memref<64x768xf32, #tpu.memory_space<vmem>>, vector<16xf32>,
      tpu.vector_store %arg8[%swap3A_43, %swap3A_44], %mul3A_42 {strides = array<i32>} : memref<64x768xf32, #tpu.memory_space<vmem>>, vector<16xf32>,
      %get3A_46 = arith.index_cast %scan3A_12 : i32 to index
      %get3A_47 = arith.constant 80 : index
      %get3A_48 = tpu.vector_load %arg8[%get3A_46, %get3A_47] {strides = array<i32>} : memref<64x768xf32, #tpu.memory_space<vmem>>, vector<16xf32>,
      %mul3A_49 = arith.mulf %get3A_48, %gather3A : vector<16xf32>
      %swap3A_50 = arith.index_cast %scan3A_12 : i32 to index
      %swap3A_51 = arith.constant 80 : index
      %swap3A_52 = tpu.vector_load %arg8[%swap3A_50, %swap3A_51] {strides = array<i32>} : memref<64x768xf32, #tpu.memory_space<vmem>>, vector<16xf32>,
      tpu.vector_store %arg8[%swap3A_50, %swap3A_51], %mul3A_49 {strides = array<i32>} : memref<64x768xf32, #tpu.memory_space<vmem>>, vector<16xf32>,
      %get3A_53 = arith.index_cast %scan3A_12 : i32 to index
      %get3A_54 = arith.constant 96 : index
      %get3A_55 = tpu.vector_load %arg8[%get3A_53, %get3A_54] {strides = array<i32>} : memref<64x768xf32, #tpu.memory_space<vmem>>, vector<16xf32>,
      %mul3A_56 = arith.mulf %get3A_55, %gather3A : vector<16xf32>
      %swap3A_57 = arith.index_cast %scan3A_12 : i32 to index
      %swap3A_58 = arith.constant 96 : index
      %swap3A_59 = tpu.vector_load %arg8[%swap3A_57, %swap3A_58] {strides = array<i32>} : memref<64x768xf32, #tpu.memory_space<vmem>>, vector<16xf32>,
      tpu.vector_store %arg8[%swap3A_57, %swap3A_58], %mul3A_56 {strides = array<i32>} : memref<64x768xf32, #tpu.memory_space<vmem>>, vector<16xf32>,
      %get3A_60 = arith.index_cast %scan3A_12 : i32 to index
      %get3A_61 = arith.constant 112 : index
      %get3A_62 = tpu.vector_load %arg8[%get3A_60, %get3A_61] {strides = array<i32>} : memref<64x768xf32, #tpu.memory_space<vmem>>, vector<16xf32>,
      %mul3A_63 = arith.mulf %get3A_62, %gather3A : vector<16xf32>
      %swap3A_64 = arith.index_cast %scan3A_12 : i32 to index
      %swap3A_65 = arith.constant 112 : index
      %swap3A_66 = tpu.vector_load %arg8[%swap3A_64, %swap3A_65] {strides = array<i32>} : memref<64x768xf32, #tpu.memory_space<vmem>>, vector<16xf32>,
      tpu.vector_store %arg8[%swap3A_64, %swap3A_65], %mul3A_63 {strides = array<i32>} : memref<64x768xf32, #tpu.memory_space<vmem>>, vector<16xf32>,
      %get3A_67 = arith.index_cast %scan3A_12 : i32 to index
      %get3A_68 = arith.constant 128 : index
      %get3A_69 = tpu.vector_load %arg8[%get3A_67, %get3A_68] {strides = array<i32>} : memref<64x768xf32, #tpu.memory_space<vmem>>, vector<16xf32>,
      %mul3A_70 = arith.mulf %get3A_69, %gather3A : vector<16xf32>
      %swap3A_71 = arith.index_cast %scan3A_12 : i32 to index
      %swap3A_72 = arith.constant 128 : index
      %swap3A_73 = tpu.vector_load %arg8[%swap3A_71, %swap3A_72] {strides = array<i32>} : memref<64x768xf32, #tpu.memory_space<vmem>>, vector<16xf32>,
      tpu.vector_store %arg8[%swap3A_71, %swap3A_72], %mul3A_70 {strides = array<i32>} : memref<64x768xf32, #tpu.memory_space<vmem>>, vector<16xf32>,
      %get3A_74 = arith.index_cast %scan3A_12 : i32 to index
      %get3A_75 = arith.constant 144 : index
      %get3A_76 = tpu.vector_load %arg8[%get3A_74, %get3A_75] {strides = array<i32>} : memref<64x768xf32, #tpu.memory_space<vmem>>, vector<16xf32>,
      %mul3A_77 = arith.mulf %get3A_76, %gather3A : vector<16xf32>
      %swap3A_78 = arith.index_cast %scan3A_12 : i32 to index
      %swap3A_79 = arith.constant 144 : index
      %swap3A_80 = tpu.vector_load %arg8[%swap3A_78, %swap3A_79] {strides = array<i32>} : memref<64x768xf32, #tpu.memory_space<vmem>>, vector<16xf32>,
      tpu.vector_store %arg8[%swap3A_78, %swap3A_79], %mul3A_77 {strides = array<i32>} : memref<64x768xf32, #tpu.memory_space<vmem>>, vector<16xf32>,
      %get3A_81 = arith.index_cast %scan3A_12 : i32 to index
      %get3A_82 = arith.constant 160 : index
      %get3A_83 = tpu.vector_load %arg8[%get3A_81, %get3A_82] {strides = array<i32>} : memref<64x768xf32, #tpu.memory_space<vmem>>, vector<16xf32>,
      %mul3A_84 = arith.mulf %get3A_83, %gather3A : vector<16xf32>
      %swap3A_85 = arith.index_cast %scan3A_12 : i32 to index
      %swap3A_86 = arith.constant 160 : index
      %swap3A_87 = tpu.vector_load %arg8[%swap3A_85, %swap3A_86] {strides = array<i32>} : memref<64x768xf32, #tpu.memory_space<vmem>>, vector<16xf32>,
      tpu.vector_store %arg8[%swap3A_85, %swap3A_86], %mul3A_84 {strides = array<i32>} : memref<64x768xf32, #tpu.memory_space<vmem>>, vector<16xf32>,
      %get3A_88 = arith.index_cast %scan3A_12 : i32 to index
      %get3A_89 = arith.constant 176 : index
      %get3A_90 = tpu.vector_load %arg8[%get3A_88, %get3A_89] {strides = array<i32>} : memref<64x768xf32, #tpu.memory_space<vmem>>, vector<16xf32>,
      %mul3A_91 = arith.mulf %get3A_90, %gather3A : vector<16xf32>
      %swap3A_92 = arith.index_cast %scan3A_12 : i32 to index
      %swap3A_93 = arith.constant 176 : index
      %swap3A_94 = tpu.vector_load %arg8[%swap3A_92, %swap3A_93] {strides = array<i32>} : memref<64x768xf32, #tpu.memory_space<vmem>>, vector<16xf32>,
      tpu.vector_store %arg8[%swap3A_92, %swap3A_93], %mul3A_91 {strides = array<i32>} : memref<64x768xf32, #tpu.memory_space<vmem>>, vector<16xf32>,
      %get3A_95 = arith.index_cast %scan3A_12 : i32 to index
      %get3A_96 = arith.constant 192 : index
      %get3A_97 = tpu.vector_load %arg8[%get3A_95, %get3A_96] {strides = array<i32>} : memref<64x768xf32, #tpu.memory_space<vmem>>, vector<16xf32>,
      %mul3A_98 = arith.mulf %get3A_97, %gather3A : vector<16xf32>
      %swap3A_99 = arith.index_cast %scan3A_12 : i32 to index
      %swap3A_100 = arith.constant 192 : index
      %swap3A_101 = tpu.vector_load %arg8[%swap3A_99, %swap3A_100] {strides = array<i32>} : memref<64x768xf32, #tpu.memory_space<vmem>>, vector<16xf32>,
      tpu.vector_store %arg8[%swap3A_99, %swap3A_100], %mul3A_98 {strides = array<i32>} : memref<64x768xf32, #tpu.memory_space<vmem>>, vector<16xf32>,
      %get3A_102 = arith.index_cast %scan3A_12 : i32 to index
      %get3A_103 = arith.constant 208 : index
      %get3A_104 = tpu.vector_load %arg8[%get3A_102, %get3A_103] {strides = array<i32>} : memref<64x768xf32, #tpu.memory_space<vmem>>, vector<16xf32>,
      %mul3A_105 = arith.mulf %get3A_104, %gather3A : vector<16xf32>
      %swap3A_106 = arith.index_cast %scan3A_12 : i32 to index
      %swap3A_107 = arith.constant 208 : index
      %swap3A_108 = tpu.vector_load %arg8[%swap3A_106, %swap3A_107] {strides = array<i32>} : memref<64x768xf32, #tpu.memory_space<vmem>>, vector<16xf32>,
      tpu.vector_store %arg8[%swap3A_106, %swap3A_107], %mul3A_105 {strides = array<i32>} : memref<64x768xf32, #tpu.memory_space<vmem>>, vector<16xf32>,
      %get3A_109 = arith.index_cast %scan3A_12 : i32 to index
      %get3A_110 = arith.constant 224 : index
      %get3A_111 = tpu.vector_load %arg8[%get3A_109, %get3A_110] {strides = array<i32>} : memref<64x768xf32, #tpu.memory_space<vmem>>, vector<16xf32>,
      %mul3A_112 = arith.mulf %get3A_111, %gather3A : vector<16xf32>
      %swap3A_113 = arith.index_cast %scan3A_12 : i32 to index
      %swap3A_114 = arith.constant 224 : index
      %swap3A_115 = tpu.vector_load %arg8[%swap3A_113, %swap3A_114] {strides = array<i32>} : memref<64x768xf32, #tpu.memory_space<vmem>>, vector<16xf32>,
      tpu.vector_store %arg8[%swap3A_113, %swap3A_114], %mul3A_112 {strides = array<i32>} : memref<64x768xf32, #tpu.memory_space<vmem>>, vector<16xf32>,
      %get3A_116 = arith.index_cast %scan3A_12 : i32 to index
      %get3A_117 = arith.constant 240 : index
      %get3A_118 = tpu.vector_load %arg8[%get3A_116, %get3A_117] {strides = array<i32>} : memref<64x768xf32, #tpu.memory_space<vmem>>, vector<16xf32>,
      %mul3A_119 = arith.mulf %get3A_118, %gather3A : vector<16xf32>
      %swap3A_120 = arith.index_cast %scan3A_12 : i32 to index
      %swap3A_121 = arith.constant 240 : index
      %swap3A_122 = tpu.vector_load %arg8[%swap3A_120, %swap3A_121] {strides = array<i32>} : memref<64x768xf32, #tpu.memory_space<vmem>>, vector<16xf32>,
      tpu.vector_store %arg8[%swap3A_120, %swap3A_121], %mul3A_119 {strides = array<i32>} : memref<64x768xf32, #tpu.memory_space<vmem>>, vector<16xf32>,
      %get3A_123 = arith.index_cast %scan3A_12 : i32 to index
      %get3A_124 = arith.constant 256 : index
      %get3A_125 = tpu.vector_load %arg8[%get3A_123, %get3A_124] {strides = array<i32>} : memref<64x768xf32, #tpu.memory_space<vmem>>, vector<16xf32>,
      %mul3A_126 = arith.mulf %get3A_125, %gather3A : vector<16xf32>
      %swap3A_127 = arith.index_cast %scan3A_12 : i32 to index
      %swap3A_128 = arith.constant 256 : index
      %swap3A_129 = tpu.vector_load %arg8[%swap3A_127, %swap3A_128] {strides = array<i32>} : memref<64x768xf32, #tpu.memory_space<vmem>>, vector<16xf32>,
      tpu.vector_store %arg8[%swap3A_127, %swap3A_128], %mul3A_126 {strides = array<i32>} : memref<64x768xf32, #tpu.memory_space<vmem>>, vector<16xf32>,
      %get3A_130 = arith.index_cast %scan3A_12 : i32 to index
      %get3A_131 = arith.constant 272 : index
      %get3A_132 = tpu.vector_load %arg8[%get3A_130, %get3A_131] {strides = array<i32>} : memref<64x768xf32, #tpu.memory_space<vmem>>, vector<16xf32>,
      %mul3A_133 = arith.mulf %get3A_132, %gather3A : vector<16xf32>
      %swap3A_134 = arith.index_cast %scan3A_12 : i32 to index
      %swap3A_135 = arith.constant 272 : index
      %swap3A_136 = tpu.vector_load %arg8[%swap3A_134, %swap3A_135] {strides = array<i32>} : memref<64x768xf32, #tpu.memory_space<vmem>>, vector<16xf32>,
      tpu.vector_store %arg8[%swap3A_134, %swap3A_135], %mul3A_133 {strides = array<i32>} : memref<64x768xf32, #tpu.memory_space<vmem>>, vector<16xf32>,
      %get3A_137 = arith.index_cast %scan3A_12 : i32 to index
      %get3A_138 = arith.constant 288 : index
      %get3A_139 = tpu.vector_load %arg8[%get3A_137, %get3A_138] {strides = array<i32>} : memref<64x768xf32, #tpu.memory_space<vmem>>, vector<16xf32>,
      %mul3A_140 = arith.mulf %get3A_139, %gather3A : vector<16xf32>
      %swap3A_141 = arith.index_cast %scan3A_12 : i32 to index
      %swap3A_142 = arith.constant 288 : index
      %swap3A_143 = tpu.vector_load %arg8[%swap3A_141, %swap3A_142] {strides = array<i32>} : memref<64x768xf32, #tpu.memory_space<vmem>>, vector<16xf32>,
      tpu.vector_store %arg8[%swap3A_141, %swap3A_142], %mul3A_140 {strides = array<i32>} : memref<64x768xf32, #tpu.memory_space<vmem>>, vector<16xf32>,
      %get3A_144 = arith.index_cast %scan3A_12 : i32 to index
      %get3A_145 = arith.constant 304 : index
      %get3A_146 = tpu.vector_load %arg8[%get3A_144, %get3A_145] {strides = array<i32>} : memref<64x768xf32, #tpu.memory_space<vmem>>, vector<16xf32>,
      %mul3A_147 = arith.mulf %get3A_146, %gather3A : vector<16xf32>
      %swap3A_148 = arith.index_cast %scan3A_12 : i32 to index
      %swap3A_149 = arith.constant 304 : index
      %swap3A_150 = tpu.vector_load %arg8[%swap3A_148, %swap3A_149] {strides = array<i32>} : memref<64x768xf32, #tpu.memory_space<vmem>>, vector<16xf32>,
      tpu.vector_store %arg8[%swap3A_148, %swap3A_149], %mul3A_147 {strides = array<i32>} : memref<64x768xf32, #tpu.memory_space<vmem>>, vector<16xf32>,
      %get3A_151 = arith.index_cast %scan3A_12 : i32 to index
      %get3A_152 = arith.constant 320 : index
      %get3A_153 = tpu.vector_load %arg8[%get3A_151, %get3A_152] {strides = array<i32>} : memref<64x768xf32, #tpu.memory_space<vmem>>, vector<16xf32>,
      %mul3A_154 = arith.mulf %get3A_153, %gather3A : vector<16xf32>
      %swap3A_155 = arith.index_cast %scan3A_12 : i32 to index
      %swap3A_156 = arith.constant 320 : index
      %swap3A_157 = tpu.vector_load %arg8[%swap3A_155, %swap3A_156] {strides = array<i32>} : memref<64x768xf32, #tpu.memory_space<vmem>>, vector<16xf32>,
      tpu.vector_store %arg8[%swap3A_155, %swap3A_156], %mul3A_154 {strides = array<i32>} : memref<64x768xf32, #tpu.memory_space<vmem>>, vector<16xf32>,
      %get3A_158 = arith.index_cast %scan3A_12 : i32 to index
      %get3A_159 = arith.constant 336 : index
      %get3A_160 = tpu.vector_load %arg8[%get3A_158, %get3A_159] {strides = array<i32>} : memref<64x768xf32, #tpu.memory_space<vmem>>, vector<16xf32>,
      %mul3A_161 = arith.mulf %get3A_160, %gather3A : vector<16xf32>
      %swap3A_162 = arith.index_cast %scan3A_12 : i32 to index
      %swap3A_163 = arith.constant 336 : index
      %swap3A_164 = tpu.vector_load %arg8[%swap3A_162, %swap3A_163] {strides = array<i32>} : memref<64x768xf32, #tpu.memory_space<vmem>>, vector<16xf32>,
      tpu.vector_store %arg8[%swap3A_162, %swap3A_163], %mul3A_161 {strides = array<i32>} : memref<64x768xf32, #tpu.memory_space<vmem>>, vector<16xf32>,
      %get3A_165 = arith.index_cast %scan3A_12 : i32 to index
      %get3A_166 = arith.constant 352 : index
      %get3A_167 = tpu.vector_load %arg8[%get3A_165, %get3A_166] {strides = array<i32>} : memref<64x768xf32, #tpu.memory_space<vmem>>, vector<16xf32>,
      %mul3A_168 = arith.mulf %get3A_167, %gather3A : vector<16xf32>
      %swap3A_169 = arith.index_cast %scan3A_12 : i32 to index
      %swap3A_170 = arith.constant 352 : index
      %swap3A_171 = tpu.vector_load %arg8[%swap3A_169, %swap3A_170] {strides = array<i32>} : memref<64x768xf32, #tpu.memory_space<vmem>>, vector<16xf32>,
      tpu.vector_store %arg8[%swap3A_169, %swap3A_170], %mul3A_168 {strides = array<i32>} : memref<64x768xf32, #tpu.memory_space<vmem>>, vector<16xf32>,
      %get3A_172 = arith.index_cast %scan3A_12 : i32 to index
      %get3A_173 = arith.constant 368 : index
      %get3A_174 = tpu.vector_load %arg8[%get3A_172, %get3A_173] {strides = array<i32>} : memref<64x768xf32, #tpu.memory_space<vmem>>, vector<16xf32>,
      %mul3A_175 = arith.mulf %get3A_174, %gather3A : vector<16xf32>
      %swap3A_176 = arith.index_cast %scan3A_12 : i32 to index
      %swap3A_177 = arith.constant 368 : index
      %swap3A_178 = tpu.vector_load %arg8[%swap3A_176, %swap3A_177] {strides = array<i32>} : memref<64x768xf32, #tpu.memory_space<vmem>>, vector<16xf32>,
      tpu.vector_store %arg8[%swap3A_176, %swap3A_177], %mul3A_175 {strides = array<i32>} : memref<64x768xf32, #tpu.memory_space<vmem>>, vector<16xf32>,
      %get3A_179 = arith.index_cast %scan3A_12 : i32 to index
      %get3A_180 = arith.constant 384 : index
      %get3A_181 = tpu.vector_load %arg8[%get3A_179, %get3A_180] {strides = array<i32>} : memref<64x768xf32, #tpu.memory_space<vmem>>, vector<16xf32>,
      %mul3A_182 = arith.mulf %get3A_181, %gather3A : vector<16xf32>
      %swap3A_183 = arith.index_cast %scan3A_12 : i32 to index
      %swap3A_184 = arith.constant 384 : index
      %swap3A_185 = tpu.vector_load %arg8[%swap3A_183, %swap3A_184] {strides = array<i32>} : memref<64x768xf32, #tpu.memory_space<vmem>>, vector<16xf32>,
      tpu.vector_store %arg8[%swap3A_183, %swap3A_184], %mul3A_182 {strides = array<i32>} : memref<64x768xf32, #tpu.memory_space<vmem>>, vector<16xf32>,
      %get3A_186 = arith.index_cast %scan3A_12 : i32 to index
      %get3A_187 = arith.constant 400 : index
      %get3A_188 = tpu.vector_load %arg8[%get3A_186, %get3A_187] {strides = array<i32>} : memref<64x768xf32, #tpu.memory_space<vmem>>, vector<16xf32>,
      %mul3A_189 = arith.mulf %get3A_188, %gather3A : vector<16xf32>
      %swap3A_190 = arith.index_cast %scan3A_12 : i32 to index
      %swap3A_191 = arith.constant 400 : index
      %swap3A_192 = tpu.vector_load %arg8[%swap3A_190, %swap3A_191] {strides = array<i32>} : memref<64x768xf32, #tpu.memory_space<vmem>>, vector<16xf32>,
      tpu.vector_store %arg8[%swap3A_190, %swap3A_191], %mul3A_189 {strides = array<i32>} : memref<64x768xf32, #tpu.memory_space<vmem>>, vector<16xf32>,
      %get3A_193 = arith.index_cast %scan3A_12 : i32 to index
      %get3A_194 = arith.constant 416 : index
      %get3A_195 = tpu.vector_load %arg8[%get3A_193, %get3A_194] {strides = array<i32>} : memref<64x768xf32, #tpu.memory_space<vmem>>, vector<16xf32>,
      %mul3A_196 = arith.mulf %get3A_195, %gather3A : vector<16xf32>
      %swap3A_197 = arith.index_cast %scan3A_12 : i32 to index
      %swap3A_198 = arith.constant 416 : index
      %swap3A_199 = tpu.vector_load %arg8[%swap3A_197, %swap3A_198] {strides = array<i32>} : memref<64x768xf32, #tpu.memory_space<vmem>>, vector<16xf32>,
      tpu.vector_store %arg8[%swap3A_197, %swap3A_198], %mul3A_196 {strides = array<i32>} : memref<64x768xf32, #tpu.memory_space<vmem>>, vector<16xf32>,
      %get3A_200 = arith.index_cast %scan3A_12 : i32 to index
      %get3A_201 = arith.constant 432 : index
      %get3A_202 = tpu.vector_load %arg8[%get3A_200, %get3A_201] {strides = array<i32>} : memref<64x768xf32, #tpu.memory_space<vmem>>, vector<16xf32>,
      %mul3A_203 = arith.mulf %get3A_202, %gather3A : vector<16xf32>
      %swap3A_204 = arith.index_cast %scan3A_12 : i32 to index
      %swap3A_205 = arith.constant 432 : index
      %swap3A_206 = tpu.vector_load %arg8[%swap3A_204, %swap3A_205] {strides = array<i32>} : memref<64x768xf32, #tpu.memory_space<vmem>>, vector<16xf32>,
      tpu.vector_store %arg8[%swap3A_204, %swap3A_205], %mul3A_203 {strides = array<i32>} : memref<64x768xf32, #tpu.memory_space<vmem>>, vector<16xf32>,
      %get3A_207 = arith.index_cast %scan3A_12 : i32 to index
      %get3A_208 = arith.constant 448 : index
      %get3A_209 = tpu.vector_load %arg8[%get3A_207, %get3A_208] {strides = array<i32>} : memref<64x768xf32, #tpu.memory_space<vmem>>, vector<16xf32>,
      %mul3A_210 = arith.mulf %get3A_209, %gather3A : vector<16xf32>
      %swap3A_211 = arith.index_cast %scan3A_12 : i32 to index
      %swap3A_212 = arith.constant 448 : index
      %swap3A_213 = tpu.vector_load %arg8[%swap3A_211, %swap3A_212] {strides = array<i32>} : memref<64x768xf32, #tpu.memory_space<vmem>>, vector<16xf32>,
      tpu.vector_store %arg8[%swap3A_211, %swap3A_212], %mul3A_210 {strides = array<i32>} : memref<64x768xf32, #tpu.memory_space<vmem>>, vector<16xf32>,
      %get3A_214 = arith.index_cast %scan3A_12 : i32 to index
      %get3A_215 = arith.constant 464 : index
      %get3A_216 = tpu.vector_load %arg8[%get3A_214, %get3A_215] {strides = array<i32>} : memref<64x768xf32, #tpu.memory_space<vmem>>, vector<16xf32>,
      %mul3A_217 = arith.mulf %get3A_216, %gather3A : vector<16xf32>
      %swap3A_218 = arith.index_cast %scan3A_12 : i32 to index
      %swap3A_219 = arith.constant 464 : index
      %swap3A_220 = tpu.vector_load %arg8[%swap3A_218, %swap3A_219] {strides = array<i32>} : memref<64x768xf32, #tpu.memory_space<vmem>>, vector<16xf32>,
      tpu.vector_store %arg8[%swap3A_218, %swap3A_219], %mul3A_217 {strides = array<i32>} : memref<64x768xf32, #tpu.memory_space<vmem>>, vector<16xf32>,
      %get3A_221 = arith.index_cast %scan3A_12 : i32 to index
      %get3A_222 = arith.constant 480 : index
      %get3A_223 = tpu.vector_load %arg8[%get3A_221, %get3A_222] {strides = array<i32>} : memref<64x768xf32, #tpu.memory_space<vmem>>, vector<16xf32>,
      %mul3A_224 = arith.mulf %get3A_223, %gather3A : vector<16xf32>
      %swap3A_225 = arith.index_cast %scan3A_12 : i32 to index
      %swap3A_226 = arith.constant 480 : index
      %swap3A_227 = tpu.vector_load %arg8[%swap3A_225, %swap3A_226] {strides = array<i32>} : memref<64x768xf32, #tpu.memory_space<vmem>>, vector<16xf32>,
      tpu.vector_store %arg8[%swap3A_225, %swap3A_226], %mul3A_224 {strides = array<i32>} : memref<64x768xf32, #tpu.memory_space<vmem>>, vector<16xf32>,
      %get3A_228 = arith.index_cast %scan3A_12 : i32 to index
      %get3A_229 = arith.constant 496 : index
      %get3A_230 = tpu.vector_load %arg8[%get3A_228, %get3A_229] {strides = array<i32>} : memref<64x768xf32, #tpu.memory_space<vmem>>, vector<16xf32>,
      %mul3A_231 = arith.mulf %get3A_230, %gather3A : vector<16xf32>
      %swap3A_232 = arith.index_cast %scan3A_12 : i32 to index
      %swap3A_233 = arith.constant 496 : index
      %swap3A_234 = tpu.vector_load %arg8[%swap3A_232, %swap3A_233] {strides = array<i32>} : memref<64x768xf32, #tpu.memory_space<vmem>>, vector<16xf32>,
      tpu.vector_store %arg8[%swap3A_232, %swap3A_233], %mul3A_231 {strides = array<i32>} : memref<64x768xf32, #tpu.memory_space<vmem>>, vector<16xf32>,
      %get3A_235 = arith.index_cast %scan3A_12 : i32 to index
      %get3A_236 = arith.constant 512 : index
      %get3A_237 = tpu.vector_load %arg8[%get3A_235, %get3A_236] {strides = array<i32>} : memref<64x768xf32, #tpu.memory_space<vmem>>, vector<16xf32>,
      %mul3A_238 = arith.mulf %get3A_237, %gather3A : vector<16xf32>
      %swap3A_239 = arith.index_cast %scan3A_12 : i32 to index
      %swap3A_240 = arith.constant 512 : index
      %swap3A_241 = tpu.vector_load %arg8[%swap3A_239, %swap3A_240] {strides = array<i32>} : memref<64x768xf32, #tpu.memory_space<vmem>>, vector<16xf32>,
      tpu.vector_store %arg8[%swap3A_239, %swap3A_240], %mul3A_238 {strides = array<i32>} : memref<64x768xf32, #tpu.memory_space<vmem>>, vector<16xf32>,
      %get3A_242 = arith.index_cast %scan3A_12 : i32 to index
      %get3A_243 = arith.constant 528 : index
      %get3A_244 = tpu.vector_load %arg8[%get3A_242, %get3A_243] {strides = array<i32>} : memref<64x768xf32, #tpu.memory_space<vmem>>, vector<16xf32>,
      %mul3A_245 = arith.mulf %get3A_244, %gather3A : vector<16xf32>
      %swap3A_246 = arith.index_cast %scan3A_12 : i32 to index
      %swap3A_247 = arith.constant 528 : index
      %swap3A_248 = tpu.vector_load %arg8[%swap3A_246, %swap3A_247] {strides = array<i32>} : memref<64x768xf32, #tpu.memory_space<vmem>>, vector<16xf32>,
      tpu.vector_store %arg8[%swap3A_246, %swap3A_247], %mul3A_245 {strides = array<i32>} : memref<64x768xf32, #tpu.memory_space<vmem>>, vector<16xf32>,
      %get3A_249 = arith.index_cast %scan3A_12 : i32 to index
      %get3A_250 = arith.constant 544 : index
      %get3A_251 = tpu.vector_load %arg8[%get3A_249, %get3A_250] {strides = array<i32>} : memref<64x768xf32, #tpu.memory_space<vmem>>, vector<16xf32>,
      %mul3A_252 = arith.mulf %get3A_251, %gather3A : vector<16xf32>
      %swap3A_253 = arith.index_cast %scan3A_12 : i32 to index
      %swap3A_254 = arith.constant 544 : index
      %swap3A_255 = tpu.vector_load %arg8[%swap3A_253, %swap3A_254] {strides = array<i32>} : memref<64x768xf32, #tpu.memory_space<vmem>>, vector<16xf32>,
      tpu.vector_store %arg8[%swap3A_253, %swap3A_254], %mul3A_252 {strides = array<i32>} : memref<64x768xf32, #tpu.memory_space<vmem>>, vector<16xf32>,
      %get3A_256 = arith.index_cast %scan3A_12 : i32 to index
      %get3A_257 = arith.constant 560 : index
      %get3A_258 = tpu.vector_load %arg8[%get3A_256, %get3A_257] {strides = array<i32>} : memref<64x768xf32, #tpu.memory_space<vmem>>, vector<16xf32>,
      %mul3A_259 = arith.mulf %get3A_258, %gather3A : vector<16xf32>
      %swap3A_260 = arith.index_cast %scan3A_12 : i32 to index
      %swap3A_261 = arith.constant 560 : index
      %swap3A_262 = tpu.vector_load %arg8[%swap3A_260, %swap3A_261] {strides = array<i32>} : memref<64x768xf32, #tpu.memory_space<vmem>>, vector<16xf32>,
      tpu.vector_store %arg8[%swap3A_260, %swap3A_261], %mul3A_259 {strides = array<i32>} : memref<64x768xf32, #tpu.memory_space<vmem>>, vector<16xf32>,
      %get3A_263 = arith.index_cast %scan3A_12 : i32 to index
      %get3A_264 = arith.constant 576 : index
      %get3A_265 = tpu.vector_load %arg8[%get3A_263, %get3A_264] {strides = array<i32>} : memref<64x768xf32, #tpu.memory_space<vmem>>, vector<16xf32>,
      %mul3A_266 = arith.mulf %get3A_265, %gather3A : vector<16xf32>
      %swap3A_267 = arith.index_cast %scan3A_12 : i32 to index
      %swap3A_268 = arith.constant 576 : index
      %swap3A_269 = tpu.vector_load %arg8[%swap3A_267, %swap3A_268] {strides = array<i32>} : memref<64x768xf32, #tpu.memory_space<vmem>>, vector<16xf32>,
      tpu.vector_store %arg8[%swap3A_267, %swap3A_268], %mul3A_266 {strides = array<i32>} : memref<64x768xf32, #tpu.memory_space<vmem>>, vector<16xf32>,
      %get3A_270 = arith.index_cast %scan3A_12 : i32 to index
      %get3A_271 = arith.constant 592 : index
      %get3A_272 = tpu.vector_load %arg8[%get3A_270, %get3A_271] {strides = array<i32>} : memref<64x768xf32, #tpu.memory_space<vmem>>, vector<16xf32>,
      %mul3A_273 = arith.mulf %get3A_272, %gather3A : vector<16xf32>
      %swap3A_274 = arith.index_cast %scan3A_12 : i32 to index
      %swap3A_275 = arith.constant 592 : index
      %swap3A_276 = tpu.vector_load %arg8[%swap3A_274, %swap3A_275] {strides = array<i32>} : memref<64x768xf32, #tpu.memory_space<vmem>>, vector<16xf32>,
      tpu.vector_store %arg8[%swap3A_274, %swap3A_275], %mul3A_273 {strides = array<i32>} : memref<64x768xf32, #tpu.memory_space<vmem>>, vector<16xf32>,
      %get3A_277 = arith.index_cast %scan3A_12 : i32 to index
      %get3A_278 = arith.constant 608 : index
      %get3A_279 = tpu.vector_load %arg8[%get3A_277, %get3A_278] {strides = array<i32>} : memref<64x768xf32, #tpu.memory_space<vmem>>, vector<16xf32>,
      %mul3A_280 = arith.mulf %get3A_279, %gather3A : vector<16xf32>
      %swap3A_281 = arith.index_cast %scan3A_12 : i32 to index
      %swap3A_282 = arith.constant 608 : index
      %swap3A_283 = tpu.vector_load %arg8[%swap3A_281, %swap3A_282] {strides = array<i32>} : memref<64x768xf32, #tpu.memory_space<vmem>>, vector<16xf32>,
      tpu.vector_store %arg8[%swap3A_281, %swap3A_282], %mul3A_280 {strides = array<i32>} : memref<64x768xf32, #tpu.memory_space<vmem>>, vector<16xf32>,
      %get3A_284 = arith.index_cast %scan3A_12 : i32 to index
      %get3A_285 = arith.constant 624 : index
      %get3A_286 = tpu.vector_load %arg8[%get3A_284, %get3A_285] {strides = array<i32>} : memref<64x768xf32, #tpu.memory_space<vmem>>, vector<16xf32>,
      %mul3A_287 = arith.mulf %get3A_286, %gather3A : vector<16xf32>
      %swap3A_288 = arith.index_cast %scan3A_12 : i32 to index
      %swap3A_289 = arith.constant 624 : index
      %swap3A_290 = tpu.vector_load %arg8[%swap3A_288, %swap3A_289] {strides = array<i32>} : memref<64x768xf32, #tpu.memory_space<vmem>>, vector<16xf32>,
      tpu.vector_store %arg8[%swap3A_288, %swap3A_289], %mul3A_287 {strides = array<i32>} : memref<64x768xf32, #tpu.memory_space<vmem>>, vector<16xf32>,
      %get3A_291 = arith.index_cast %scan3A_12 : i32 to index
      %get3A_292 = arith.constant 640 : index
      %get3A_293 = tpu.vector_load %arg8[%get3A_291, %get3A_292] {strides = array<i32>} : memref<64x768xf32, #tpu.memory_space<vmem>>, vector<16xf32>,
      %mul3A_294 = arith.mulf %get3A_293, %gather3A : vector<16xf32>
      %swap3A_295 = arith.index_cast %scan3A_12 : i32 to index
      %swap3A_296 = arith.constant 640 : index
      %swap3A_297 = tpu.vector_load %arg8[%swap3A_295, %swap3A_296] {strides = array<i32>} : memref<64x768xf32, #tpu.memory_space<vmem>>, vector<16xf32>,
      tpu.vector_store %arg8[%swap3A_295, %swap3A_296], %mul3A_294 {strides = array<i32>} : memref<64x768xf32, #tpu.memory_space<vmem>>, vector<16xf32>,
      %get3A_298 = arith.index_cast %scan3A_12 : i32 to index
      %get3A_299 = arith.constant 656 : index
      %get3A_300 = tpu.vector_load %arg8[%get3A_298, %get3A_299] {strides = array<i32>} : memref<64x768xf32, #tpu.memory_space<vmem>>, vector<16xf32>,
      %mul3A_301 = arith.mulf %get3A_300, %gather3A : vector<16xf32>
      %swap3A_302 = arith.index_cast %scan3A_12 : i32 to index
      %swap3A_303 = arith.constant 656 : index
      %swap3A_304 = tpu.vector_load %arg8[%swap3A_302, %swap3A_303] {strides = array<i32>} : memref<64x768xf32, #tpu.memory_space<vmem>>, vector<16xf32>,
      tpu.vector_store %arg8[%swap3A_302, %swap3A_303], %mul3A_301 {strides = array<i32>} : memref<64x768xf32, #tpu.memory_space<vmem>>, vector<16xf32>,
      %get3A_305 = arith.index_cast %scan3A_12 : i32 to index
      %get3A_306 = arith.constant 672 : index
      %get3A_307 = tpu.vector_load %arg8[%get3A_305, %get3A_306] {strides = array<i32>} : memref<64x768xf32, #tpu.memory_space<vmem>>, vector<16xf32>,
      %mul3A_308 = arith.mulf %get3A_307, %gather3A : vector<16xf32>
      %swap3A_309 = arith.index_cast %scan3A_12 : i32 to index
      %swap3A_310 = arith.constant 672 : index
      %swap3A_311 = tpu.vector_load %arg8[%swap3A_309, %swap3A_310] {strides = array<i32>} : memref<64x768xf32, #tpu.memory_space<vmem>>, vector<16xf32>,
      tpu.vector_store %arg8[%swap3A_309, %swap3A_310], %mul3A_308 {strides = array<i32>} : memref<64x768xf32, #tpu.memory_space<vmem>>, vector<16xf32>,
      %get3A_312 = arith.index_cast %scan3A_12 : i32 to index
      %get3A_313 = arith.constant 688 : index
      %get3A_314 = tpu.vector_load %arg8[%get3A_312, %get3A_313] {strides = array<i32>} : memref<64x768xf32, #tpu.memory_space<vmem>>, vector<16xf32>,
      %mul3A_315 = arith.mulf %get3A_314, %gather3A : vector<16xf32>
      %swap3A_316 = arith.index_cast %scan3A_12 : i32 to index
      %swap3A_317 = arith.constant 688 : index
      %swap3A_318 = tpu.vector_load %arg8[%swap3A_316, %swap3A_317] {strides = array<i32>} : memref<64x768xf32, #tpu.memory_space<vmem>>, vector<16xf32>,
      tpu.vector_store %arg8[%swap3A_316, %swap3A_317], %mul3A_315 {strides = array<i32>} : memref<64x768xf32, #tpu.memory_space<vmem>>, vector<16xf32>,
      %get3A_319 = arith.index_cast %scan3A_12 : i32 to index
      %get3A_320 = arith.constant 704 : index
      %get3A_321 = tpu.vector_load %arg8[%get3A_319, %get3A_320] {strides = array<i32>} : memref<64x768xf32, #tpu.memory_space<vmem>>, vector<16xf32>,
      %mul3A_322 = arith.mulf %get3A_321, %gather3A : vector<16xf32>
      %swap3A_323 = arith.index_cast %scan3A_12 : i32 to index
      %swap3A_324 = arith.constant 704 : index
      %swap3A_325 = tpu.vector_load %arg8[%swap3A_323, %swap3A_324] {strides = array<i32>} : memref<64x768xf32, #tpu.memory_space<vmem>>, vector<16xf32>,
      tpu.vector_store %arg8[%swap3A_323, %swap3A_324], %mul3A_322 {strides = array<i32>} : memref<64x768xf32, #tpu.memory_space<vmem>>, vector<16xf32>,
      %get3A_326 = arith.index_cast %scan3A_12 : i32 to index
      %get3A_327 = arith.constant 720 : index
      %get3A_328 = tpu.vector_load %arg8[%get3A_326, %get3A_327] {strides = array<i32>} : memref<64x768xf32, #tpu.memory_space<vmem>>, vector<16xf32>,
      %mul3A_329 = arith.mulf %get3A_328, %gather3A : vector<16xf32>
      %swap3A_330 = arith.index_cast %scan3A_12 : i32 to index
      %swap3A_331 = arith.constant 720 : index
      %swap3A_332 = tpu.vector_load %arg8[%swap3A_330, %swap3A_331] {strides = array<i32>} : memref<64x768xf32, #tpu.memory_space<vmem>>, vector<16xf32>,
      tpu.vector_store %arg8[%swap3A_330, %swap3A_331], %mul3A_329 {strides = array<i32>} : memref<64x768xf32, #tpu.memory_space<vmem>>, vector<16xf32>,
      %get3A_333 = arith.index_cast %scan3A_12 : i32 to index
      %get3A_334 = arith.constant 736 : index
      %get3A_335 = tpu.vector_load %arg8[%get3A_333, %get3A_334] {strides = array<i32>} : memref<64x768xf32, #tpu.memory_space<vmem>>, vector<16xf32>,
      %mul3A_336 = arith.mulf %get3A_335, %gather3A : vector<16xf32>
      %swap3A_337 = arith.index_cast %scan3A_12 : i32 to index
      %swap3A_338 = arith.constant 736 : index
      %swap3A_339 = tpu.vector_load %arg8[%swap3A_337, %swap3A_338] {strides = array<i32>} : memref<64x768xf32, #tpu.memory_space<vmem>>, vector<16xf32>,
      tpu.vector_store %arg8[%swap3A_337, %swap3A_338], %mul3A_336 {strides = array<i32>} : memref<64x768xf32, #tpu.memory_space<vmem>>, vector<16xf32>,
      %get3A_340 = arith.index_cast %scan3A_12 : i32 to index
      %get3A_341 = arith.constant 752 : index
      %get3A_342 = tpu.vector_load %arg8[%get3A_340, %get3A_341] {strides = array<i32>} : memref<64x768xf32, #tpu.memory_space<vmem>>, vector<16xf32>,
      %mul3A_343 = arith.mulf %get3A_342, %gather3A : vector<16xf32>
      %swap3A_344 = arith.index_cast %scan3A_12 : i32 to index
      %swap3A_345 = arith.constant 752 : index
      %swap3A_346 = tpu.vector_load %arg8[%swap3A_344, %swap3A_345] {strides = array<i32>} : memref<64x768xf32, #tpu.memory_space<vmem>>, vector<16xf32>,
      tpu.vector_store %arg8[%swap3A_344, %swap3A_345], %mul3A_343 {strides = array<i32>} : memref<64x768xf32, #tpu.memory_space<vmem>>, vector<16xf32>,
    }
    %scan3A_11 = arith.constant 64 : i32
    "tpu.region"() ({
      %run_scoped3A = tpu.sem_alloc : memref<!tpu.dma_semaphore, #tpu.memory_space<semaphore_mem>>
      %dma_start3A_12 = arith.constant 0 : i32
      %dma_start3A_13 = tpu.memref_slice %arg5[%mul3A_2, %dma_start3A_12] : memref<2048x768xf32, #tpu.memory_space<hbm>> -> memref<64x768xf32, #tpu.memory_space<hbm>>
      %dma_start3A_14 = arith.constant 0 : i32
      %dma_start3A_15 = tpu.memref_slice %arg5[%mul3A_2, %dma_start3A_14] : memref<2048x768xf32, #tpu.memory_space<hbm>> -> memref<64x768xf32, #tpu.memory_space<hbm>>
      tpu.enqueue_dma source(%arg8 : memref<64x768xf32, #tpu.memory_space<vmem>>) target(%dma_start3A_15 : memref<64x768xf32, #tpu.memory_space<hbm>>) target_semaphore(%run_scoped3A : memref<!tpu.dma_semaphore, #tpu.memory_space<semaphore_mem>>)
      %dma_wait3A_16 = arith.constant 0 : i32
      %dma_wait3A_17 = tpu.memref_slice %arg5[%mul3A_2, %dma_wait3A_16] : memref<2048x768xf32, #tpu.memory_space<hbm>> -> memref<64x768xf32, #tpu.memory_space<hbm>>
      %dma_wait3A_18 = arith.constant 0 : i32
      %dma_wait3A_19 = tpu.memref_slice %arg5[%mul3A_2, %dma_wait3A_18] : memref<2048x768xf32, #tpu.memory_space<hbm>> -> memref<64x768xf32, #tpu.memory_space<hbm>>
      tpu.wait_dma2 semaphore(%run_scoped3A : memref<!tpu.dma_semaphore, #tpu.memory_space<semaphore_mem>>) src(%arg8 : memref<64x768xf32, #tpu.memory_space<vmem>>) dst(%dma_wait3A_19 : memref<64x768xf32, #tpu.memory_space<hbm>>)
      tpu.yield
    }) : () -> ()
    return
  }
}

#map = affine_map<(d0, d1) -> (0)>
#map1 = affine_map<(d0, d1) -> (0, 0)>
module attributes {stable_mosaic.version = 14 : i64} {
  func.func @_dispatch_body(%arg0: i32, %arg1: i32, %arg2: memref<2048xi32, #tpu.memory_space<hbm>>, %arg3: memref<64xi32, #tpu.memory_space<hbm>>, %arg4: memref<2048x768xf32, #tpu.memory_space<hbm>>, %arg5: memref<8192x768xf32, #tpu.memory_space<hbm>>, %arg6: memref<2048xi32, #tpu.memory_space<hbm>>, %arg7: memref<2048xi32, #tpu.memory_space<vmem>>, %arg8: memref<64xi32, #tpu.memory_space<vmem>>, %arg9: memref<128xi32, #tpu.memory_space<vmem>>, %arg10: memref<128xi32, #tpu.memory_space<vmem>>, %arg11: memref<2048xi32, #tpu.memory_space<vmem>>, %arg12: memref<32x768xf32, #tpu.memory_space<vmem>>, %arg13: memref<!tpu.dma_semaphore, #tpu.memory_space<semaphore_mem>>) attributes {dimension_semantics = [#tpu.dimension_semantics<core_parallel>, #tpu.dimension_semantics<subcore_parallel>], iteration_bounds = array<i64: 2, 16>, scalar_prefetch = 0 : i64, scratch_operands = 7 : i64, tpu.core_type = #tpu.core_type<sc_vector_subcore>, window_params = [{transform_indices = #map}, {transform_indices = #map}, {transform_indices = #map1}, {transform_indices = #map1}, {transform_indices = #map}]} {
    %mul3A = arith.constant 2 : i32
    %mul3A_0 = arith.muli %arg1, %mul3A : i32
    %add3A = arith.addi %mul3A_0, %arg0 : i32
    %mul3A_1 = arith.constant 256 : i32
    %mul3A_2 = arith.muli %add3A, %mul3A_1 : i32
    "tpu.region"() ({
      %run_scoped3A = tpu.sem_alloc : memref<!tpu.dma_semaphore, #tpu.memory_space<semaphore_mem>>
      tpu.enqueue_dma source(%arg2 : memref<2048xi32, #tpu.memory_space<hbm>>) target(%arg7 : memref<2048xi32, #tpu.memory_space<vmem>>) target_semaphore(%run_scoped3A : memref<!tpu.dma_semaphore, #tpu.memory_space<semaphore_mem>>)
      tpu.wait_dma2 semaphore(%run_scoped3A : memref<!tpu.dma_semaphore, #tpu.memory_space<semaphore_mem>>) src(%arg2 : memref<2048xi32, #tpu.memory_space<hbm>>) dst(%arg7 : memref<2048xi32, #tpu.memory_space<vmem>>)
      tpu.yield
    }) : () -> ()
    "tpu.region"() ({
      %run_scoped3A = tpu.sem_alloc : memref<!tpu.dma_semaphore, #tpu.memory_space<semaphore_mem>>
      tpu.enqueue_dma source(%arg3 : memref<64xi32, #tpu.memory_space<hbm>>) target(%arg8 : memref<64xi32, #tpu.memory_space<vmem>>) target_semaphore(%run_scoped3A : memref<!tpu.dma_semaphore, #tpu.memory_space<semaphore_mem>>)
      tpu.wait_dma2 semaphore(%run_scoped3A : memref<!tpu.dma_semaphore, #tpu.memory_space<semaphore_mem>>) src(%arg3 : memref<64xi32, #tpu.memory_space<hbm>>) dst(%arg8 : memref<64xi32, #tpu.memory_space<vmem>>)
      tpu.yield
    }) : () -> ()
    %iota3A = tpu.iota {dimensions = array<i32: 0>} : vector<16xi32>
    %add3A_3 = arith.constant 0 : i32
    %add3A_4 = arith.addi %mul3A_2, %add3A_3 : i32
    %add3A_5 = vector.broadcast %add3A_4 : i32 to vector<16xi32>
    %add3A_6 = arith.addi %add3A_5, %iota3A : vector<16xi32>
    %and3A = arith.constant 2047 : i32
    %and3A_7 = vector.broadcast %and3A : i32 to vector<16xi32>
    %and3A_8 = arith.andi %add3A_6, %and3A_7 : vector<16xi32>
    %swap3A = arith.constant 0 : index
    %swap3A_9 = tpu.vector_load %arg9[%swap3A] {strides = array<i32>} : memref<128xi32, #tpu.memory_space<vmem>>, vector<16xi32>,
    tpu.vector_store %arg9[%swap3A], %and3A_8 {strides = array<i32>} : memref<128xi32, #tpu.memory_space<vmem>>, vector<16xi32>,
    %add3A_10 = arith.constant 128 : i32
    %add3A_11 = vector.broadcast %add3A_10 : i32 to vector<16xi32>
    %add3A_12 = arith.addi %and3A_8, %add3A_11 : vector<16xi32>
    %and3A_13 = arith.constant 2047 : i32
    %and3A_14 = vector.broadcast %and3A_13 : i32 to vector<16xi32>
    %and3A_15 = arith.andi %add3A_12, %and3A_14 : vector<16xi32>
    %swap3A_16 = arith.constant 0 : index
    %swap3A_17 = tpu.vector_load %arg10[%swap3A_16] {strides = array<i32>} : memref<128xi32, #tpu.memory_space<vmem>>, vector<16xi32>,
    tpu.vector_store %arg10[%swap3A_16], %and3A_15 {strides = array<i32>} : memref<128xi32, #tpu.memory_space<vmem>>, vector<16xi32>,
    %add3A_18 = arith.constant 16 : i32
    %add3A_19 = arith.addi %mul3A_2, %add3A_18 : i32
    %add3A_20 = vector.broadcast %add3A_19 : i32 to vector<16xi32>
    %add3A_21 = arith.addi %add3A_20, %iota3A : vector<16xi32>
    %and3A_22 = arith.constant 2047 : i32
    %and3A_23 = vector.broadcast %and3A_22 : i32 to vector<16xi32>
    %and3A_24 = arith.andi %add3A_21, %and3A_23 : vector<16xi32>
    %swap3A_25 = arith.constant 16 : index
    %swap3A_26 = tpu.vector_load %arg9[%swap3A_25] {strides = array<i32>} : memref<128xi32, #tpu.memory_space<vmem>>, vector<16xi32>,
    tpu.vector_store %arg9[%swap3A_25], %and3A_24 {strides = array<i32>} : memref<128xi32, #tpu.memory_space<vmem>>, vector<16xi32>,
    %add3A_27 = arith.constant 128 : i32
    %add3A_28 = vector.broadcast %add3A_27 : i32 to vector<16xi32>
    %add3A_29 = arith.addi %and3A_24, %add3A_28 : vector<16xi32>
    %and3A_30 = arith.constant 2047 : i32
    %and3A_31 = vector.broadcast %and3A_30 : i32 to vector<16xi32>
    %and3A_32 = arith.andi %add3A_29, %and3A_31 : vector<16xi32>
    %swap3A_33 = arith.constant 16 : index
    %swap3A_34 = tpu.vector_load %arg10[%swap3A_33] {strides = array<i32>} : memref<128xi32, #tpu.memory_space<vmem>>, vector<16xi32>,
    tpu.vector_store %arg10[%swap3A_33], %and3A_32 {strides = array<i32>} : memref<128xi32, #tpu.memory_space<vmem>>, vector<16xi32>,
    %add3A_35 = arith.constant 32 : i32
    %add3A_36 = arith.addi %mul3A_2, %add3A_35 : i32
    %add3A_37 = vector.broadcast %add3A_36 : i32 to vector<16xi32>
    %add3A_38 = arith.addi %add3A_37, %iota3A : vector<16xi32>
    %and3A_39 = arith.constant 2047 : i32
    %and3A_40 = vector.broadcast %and3A_39 : i32 to vector<16xi32>
    %and3A_41 = arith.andi %add3A_38, %and3A_40 : vector<16xi32>
    %swap3A_42 = arith.constant 32 : index
    %swap3A_43 = tpu.vector_load %arg9[%swap3A_42] {strides = array<i32>} : memref<128xi32, #tpu.memory_space<vmem>>, vector<16xi32>,
    tpu.vector_store %arg9[%swap3A_42], %and3A_41 {strides = array<i32>} : memref<128xi32, #tpu.memory_space<vmem>>, vector<16xi32>,
    %add3A_44 = arith.constant 128 : i32
    %add3A_45 = vector.broadcast %add3A_44 : i32 to vector<16xi32>
    %add3A_46 = arith.addi %and3A_41, %add3A_45 : vector<16xi32>
    %and3A_47 = arith.constant 2047 : i32
    %and3A_48 = vector.broadcast %and3A_47 : i32 to vector<16xi32>
    %and3A_49 = arith.andi %add3A_46, %and3A_48 : vector<16xi32>
    %swap3A_50 = arith.constant 32 : index
    %swap3A_51 = tpu.vector_load %arg10[%swap3A_50] {strides = array<i32>} : memref<128xi32, #tpu.memory_space<vmem>>, vector<16xi32>,
    tpu.vector_store %arg10[%swap3A_50], %and3A_49 {strides = array<i32>} : memref<128xi32, #tpu.memory_space<vmem>>, vector<16xi32>,
    %add3A_52 = arith.constant 48 : i32
    %add3A_53 = arith.addi %mul3A_2, %add3A_52 : i32
    %add3A_54 = vector.broadcast %add3A_53 : i32 to vector<16xi32>
    %add3A_55 = arith.addi %add3A_54, %iota3A : vector<16xi32>
    %and3A_56 = arith.constant 2047 : i32
    %and3A_57 = vector.broadcast %and3A_56 : i32 to vector<16xi32>
    %and3A_58 = arith.andi %add3A_55, %and3A_57 : vector<16xi32>
    %swap3A_59 = arith.constant 48 : index
    %swap3A_60 = tpu.vector_load %arg9[%swap3A_59] {strides = array<i32>} : memref<128xi32, #tpu.memory_space<vmem>>, vector<16xi32>,
    tpu.vector_store %arg9[%swap3A_59], %and3A_58 {strides = array<i32>} : memref<128xi32, #tpu.memory_space<vmem>>, vector<16xi32>,
    %add3A_61 = arith.constant 128 : i32
    %add3A_62 = vector.broadcast %add3A_61 : i32 to vector<16xi32>
    %add3A_63 = arith.addi %and3A_58, %add3A_62 : vector<16xi32>
    %and3A_64 = arith.constant 2047 : i32
    %and3A_65 = vector.broadcast %and3A_64 : i32 to vector<16xi32>
    %and3A_66 = arith.andi %add3A_63, %and3A_65 : vector<16xi32>
    %swap3A_67 = arith.constant 48 : index
    %swap3A_68 = tpu.vector_load %arg10[%swap3A_67] {strides = array<i32>} : memref<128xi32, #tpu.memory_space<vmem>>, vector<16xi32>,
    tpu.vector_store %arg10[%swap3A_67], %and3A_66 {strides = array<i32>} : memref<128xi32, #tpu.memory_space<vmem>>, vector<16xi32>,
    %add3A_69 = arith.constant 64 : i32
    %add3A_70 = arith.addi %mul3A_2, %add3A_69 : i32
    %add3A_71 = vector.broadcast %add3A_70 : i32 to vector<16xi32>
    %add3A_72 = arith.addi %add3A_71, %iota3A : vector<16xi32>
    %and3A_73 = arith.constant 2047 : i32
    %and3A_74 = vector.broadcast %and3A_73 : i32 to vector<16xi32>
    %and3A_75 = arith.andi %add3A_72, %and3A_74 : vector<16xi32>
    %swap3A_76 = arith.constant 64 : index
    %swap3A_77 = tpu.vector_load %arg9[%swap3A_76] {strides = array<i32>} : memref<128xi32, #tpu.memory_space<vmem>>, vector<16xi32>,
    tpu.vector_store %arg9[%swap3A_76], %and3A_75 {strides = array<i32>} : memref<128xi32, #tpu.memory_space<vmem>>, vector<16xi32>,
    %add3A_78 = arith.constant 128 : i32
    %add3A_79 = vector.broadcast %add3A_78 : i32 to vector<16xi32>
    %add3A_80 = arith.addi %and3A_75, %add3A_79 : vector<16xi32>
    %and3A_81 = arith.constant 2047 : i32
    %and3A_82 = vector.broadcast %and3A_81 : i32 to vector<16xi32>
    %and3A_83 = arith.andi %add3A_80, %and3A_82 : vector<16xi32>
    %swap3A_84 = arith.constant 64 : index
    %swap3A_85 = tpu.vector_load %arg10[%swap3A_84] {strides = array<i32>} : memref<128xi32, #tpu.memory_space<vmem>>, vector<16xi32>,
    tpu.vector_store %arg10[%swap3A_84], %and3A_83 {strides = array<i32>} : memref<128xi32, #tpu.memory_space<vmem>>, vector<16xi32>,
    %add3A_86 = arith.constant 80 : i32
    %add3A_87 = arith.addi %mul3A_2, %add3A_86 : i32
    %add3A_88 = vector.broadcast %add3A_87 : i32 to vector<16xi32>
    %add3A_89 = arith.addi %add3A_88, %iota3A : vector<16xi32>
    %and3A_90 = arith.constant 2047 : i32
    %and3A_91 = vector.broadcast %and3A_90 : i32 to vector<16xi32>
    %and3A_92 = arith.andi %add3A_89, %and3A_91 : vector<16xi32>
    %swap3A_93 = arith.constant 80 : index
    %swap3A_94 = tpu.vector_load %arg9[%swap3A_93] {strides = array<i32>} : memref<128xi32, #tpu.memory_space<vmem>>, vector<16xi32>,
    tpu.vector_store %arg9[%swap3A_93], %and3A_92 {strides = array<i32>} : memref<128xi32, #tpu.memory_space<vmem>>, vector<16xi32>,
    %add3A_95 = arith.constant 128 : i32
    %add3A_96 = vector.broadcast %add3A_95 : i32 to vector<16xi32>
    %add3A_97 = arith.addi %and3A_92, %add3A_96 : vector<16xi32>
    %and3A_98 = arith.constant 2047 : i32
    %and3A_99 = vector.broadcast %and3A_98 : i32 to vector<16xi32>
    %and3A_100 = arith.andi %add3A_97, %and3A_99 : vector<16xi32>
    %swap3A_101 = arith.constant 80 : index
    %swap3A_102 = tpu.vector_load %arg10[%swap3A_101] {strides = array<i32>} : memref<128xi32, #tpu.memory_space<vmem>>, vector<16xi32>,
    tpu.vector_store %arg10[%swap3A_101], %and3A_100 {strides = array<i32>} : memref<128xi32, #tpu.memory_space<vmem>>, vector<16xi32>,
    %add3A_103 = arith.constant 96 : i32
    %add3A_104 = arith.addi %mul3A_2, %add3A_103 : i32
    %add3A_105 = vector.broadcast %add3A_104 : i32 to vector<16xi32>
    %add3A_106 = arith.addi %add3A_105, %iota3A : vector<16xi32>
    %and3A_107 = arith.constant 2047 : i32
    %and3A_108 = vector.broadcast %and3A_107 : i32 to vector<16xi32>
    %and3A_109 = arith.andi %add3A_106, %and3A_108 : vector<16xi32>
    %swap3A_110 = arith.constant 96 : index
    %swap3A_111 = tpu.vector_load %arg9[%swap3A_110] {strides = array<i32>} : memref<128xi32, #tpu.memory_space<vmem>>, vector<16xi32>,
    tpu.vector_store %arg9[%swap3A_110], %and3A_109 {strides = array<i32>} : memref<128xi32, #tpu.memory_space<vmem>>, vector<16xi32>,
    %add3A_112 = arith.constant 128 : i32
    %add3A_113 = vector.broadcast %add3A_112 : i32 to vector<16xi32>
    %add3A_114 = arith.addi %and3A_109, %add3A_113 : vector<16xi32>
    %and3A_115 = arith.constant 2047 : i32
    %and3A_116 = vector.broadcast %and3A_115 : i32 to vector<16xi32>
    %and3A_117 = arith.andi %add3A_114, %and3A_116 : vector<16xi32>
    %swap3A_118 = arith.constant 96 : index
    %swap3A_119 = tpu.vector_load %arg10[%swap3A_118] {strides = array<i32>} : memref<128xi32, #tpu.memory_space<vmem>>, vector<16xi32>,
    tpu.vector_store %arg10[%swap3A_118], %and3A_117 {strides = array<i32>} : memref<128xi32, #tpu.memory_space<vmem>>, vector<16xi32>,
    %add3A_120 = arith.constant 112 : i32
    %add3A_121 = arith.addi %mul3A_2, %add3A_120 : i32
    %add3A_122 = vector.broadcast %add3A_121 : i32 to vector<16xi32>
    %add3A_123 = arith.addi %add3A_122, %iota3A : vector<16xi32>
    %and3A_124 = arith.constant 2047 : i32
    %and3A_125 = vector.broadcast %and3A_124 : i32 to vector<16xi32>
    %and3A_126 = arith.andi %add3A_123, %and3A_125 : vector<16xi32>
    %swap3A_127 = arith.constant 112 : index
    %swap3A_128 = tpu.vector_load %arg9[%swap3A_127] {strides = array<i32>} : memref<128xi32, #tpu.memory_space<vmem>>, vector<16xi32>,
    tpu.vector_store %arg9[%swap3A_127], %and3A_126 {strides = array<i32>} : memref<128xi32, #tpu.memory_space<vmem>>, vector<16xi32>,
    %add3A_129 = arith.constant 128 : i32
    %add3A_130 = vector.broadcast %add3A_129 : i32 to vector<16xi32>
    %add3A_131 = arith.addi %and3A_126, %add3A_130 : vector<16xi32>
    %and3A_132 = arith.constant 2047 : i32
    %and3A_133 = vector.broadcast %and3A_132 : i32 to vector<16xi32>
    %and3A_134 = arith.andi %add3A_131, %and3A_133 : vector<16xi32>
    %swap3A_135 = arith.constant 112 : index
    %swap3A_136 = tpu.vector_load %arg10[%swap3A_135] {strides = array<i32>} : memref<128xi32, #tpu.memory_space<vmem>>, vector<16xi32>,
    tpu.vector_store %arg10[%swap3A_135], %and3A_134 {strides = array<i32>} : memref<128xi32, #tpu.memory_space<vmem>>, vector<16xi32>,
    %scan3A = arith.constant 0 : i32
    %scan3A_137 = arith.constant 0 : i32
    %scan3A_138 = arith.constant 128 : i32
    %scan3A_139 = arith.addi %scan3A_137, %scan3A_138 : i32
    %scan3A_140 = arith.constant 1 : i32
    scf.for %scan3A_211 = %scan3A_137 to %scan3A_139 step %scan3A_140  : i32 {
      %mul3A_212 = arith.constant 16 : i32
      %mul3A_213 = arith.muli %scan3A_211, %mul3A_212 : i32
      %get3A = arith.index_cast %mul3A_213 : i32 to index
      %get3A_214 = tpu.vector_load %arg7[%get3A] {strides = array<i32>} : memref<2048xi32, #tpu.memory_space<vmem>>, vector<16xi32>,
      %shift_right_arithmetic3A = arith.constant 11 : i32
      %shift_right_arithmetic3A_215 = vector.broadcast %shift_right_arithmetic3A : i32 to vector<16xi32>
      %shift_right_arithmetic3A_216 = arith.shrsi %get3A_214, %shift_right_arithmetic3A_215 : vector<16xi32>
      %and3A_217 = arith.constant 2047 : i32
      %and3A_218 = vector.broadcast %and3A_217 : i32 to vector<16xi32>
      %and3A_219 = arith.andi %get3A_214, %and3A_218 : vector<16xi32>
      %lt3A = arith.constant 128 : i32
      %lt3A_220 = vector.broadcast %lt3A : i32 to vector<16xi32>
      %lt3A_221 = arith.cmpi slt, %and3A_219, %lt3A_220 : vector<16xi32>
      %mul3A_222 = arith.constant 128 : i32
      %mul3A_223 = vector.broadcast %mul3A_222 : i32 to vector<16xi32>
      %mul3A_224 = arith.muli %shift_right_arithmetic3A_216, %mul3A_223 : vector<16xi32>
      %add3A_225 = arith.addi %mul3A_224, %and3A_219 : vector<16xi32>
      %jit3A = arith.constant 0 : i32
      %broadcast_in_dim3A_226 = vector.broadcast %jit3A : i32 to vector<16xi32>
      %select_n3A = arith.select %lt3A_221, %add3A_225, %broadcast_in_dim3A_226 : vector<16xi1>, vector<16xi32>
      %mul3A_227 = arith.constant 16 : i32
      %mul3A_228 = arith.muli %scan3A_211, %mul3A_227 : i32
      %swap3A_229 = arith.index_cast %mul3A_228 : i32 to index
      %swap3A_230 = tpu.vector_load %arg11[%swap3A_229] {strides = array<i32>} : memref<2048xi32, #tpu.memory_space<vmem>>, vector<16xi32>,
      tpu.vector_store %arg11[%swap3A_229], %select_n3A {strides = array<i32>} : memref<2048xi32, #tpu.memory_space<vmem>>, vector<16xi32>,
      %sub3A = vector.broadcast %mul3A_2 : i32 to vector<16xi32>
      %sub3A_231 = arith.subi %add3A_225, %sub3A : vector<16xi32>
      %ge3A = arith.constant 0 : i32
      %ge3A_232 = vector.broadcast %ge3A : i32 to vector<16xi32>
      %ge3A_233 = arith.cmpi sge, %sub3A_231, %ge3A_232 : vector<16xi32>
      %and3A_234 = arith.andi %lt3A_221, %ge3A_233 : vector<16xi1>
      %lt3A_235 = arith.constant 128 : i32
      %lt3A_236 = vector.broadcast %lt3A_235 : i32 to vector<16xi32>
      %lt3A_237 = arith.cmpi slt, %sub3A_231, %lt3A_236 : vector<16xi32>
      %and3A_238 = arith.andi %and3A_234, %lt3A_237 : vector<16xi1>
      %ge3A_239 = arith.constant 128 : i32
      %ge3A_240 = vector.broadcast %ge3A_239 : i32 to vector<16xi32>
      %ge3A_241 = arith.cmpi sge, %sub3A_231, %ge3A_240 : vector<16xi32>
      %and3A_242 = arith.andi %lt3A_221, %ge3A_241 : vector<16xi1>
      %lt3A_243 = arith.constant 256 : i32
      %lt3A_244 = vector.broadcast %lt3A_243 : i32 to vector<16xi32>
      %lt3A_245 = arith.cmpi slt, %sub3A_231, %lt3A_244 : vector<16xi32>
      %and3A_246 = arith.andi %and3A_242, %lt3A_245 : vector<16xi1>
      %mul3A_247 = arith.constant 16 : i32
      %mul3A_248 = arith.muli %scan3A_211, %mul3A_247 : i32
      %add3A_249 = vector.broadcast %mul3A_248 : i32 to vector<16xi32>
      %add3A_250 = arith.addi %iota3A, %add3A_249 : vector<16xi32>
      %jit3A_251 = arith.constant 0 : i32
      %broadcast_in_dim3A_252 = vector.broadcast %jit3A_251 : i32 to vector<16xi32>
      %select_n3A_253 = arith.select %and3A_238, %sub3A_231, %broadcast_in_dim3A_252 : vector<16xi1>, vector<16xi32>
      tpu.vector_store_idx %arg9[%select_n3A_253], %add3A_250 masked %and3A_238 : memref<128xi32, #tpu.memory_space<vmem>>[vector<16xi32>], vector<16xi32>, vector<16xi1>
      %sub3A_254 = arith.constant 128 : i32
      %sub3A_255 = vector.broadcast %sub3A_254 : i32 to vector<16xi32>
      %sub3A_256 = arith.subi %sub3A_231, %sub3A_255 : vector<16xi32>
      %jit3A_257 = arith.constant 0 : i32
      %broadcast_in_dim3A_258 = vector.broadcast %jit3A_257 : i32 to vector<16xi32>
      %select_n3A_259 = arith.select %and3A_246, %sub3A_256, %broadcast_in_dim3A_258 : vector<16xi1>, vector<16xi32>
      tpu.vector_store_idx %arg10[%select_n3A_259], %add3A_250 masked %and3A_246 : memref<128xi32, #tpu.memory_space<vmem>>[vector<16xi32>], vector<16xi32>, vector<16xi1>
    }
    %scan3A_141 = arith.constant 128 : i32
    %eq3A = arith.constant 0 : i32
    %eq3A_142 = arith.cmpi eq, %add3A, %eq3A : i32
    %convert_element_type3A = arith.extui %eq3A_142 : i1 to i32
    %cond3A = arith.constant 0 : i32
    %cond3A_143 = arith.cmpi ne, %convert_element_type3A, %cond3A : i32
    scf.if %cond3A_143 {
      "tpu.region"() ({
        %run_scoped3A = tpu.sem_alloc : memref<!tpu.dma_semaphore, #tpu.memory_space<semaphore_mem>>
        tpu.enqueue_dma source(%arg11 : memref<2048xi32, #tpu.memory_space<vmem>>) target(%arg6 : memref<2048xi32, #tpu.memory_space<hbm>>) target_semaphore(%run_scoped3A : memref<!tpu.dma_semaphore, #tpu.memory_space<semaphore_mem>>)
        tpu.wait_dma2 semaphore(%run_scoped3A : memref<!tpu.dma_semaphore, #tpu.memory_space<semaphore_mem>>) src(%arg11 : memref<2048xi32, #tpu.memory_space<vmem>>) dst(%arg6 : memref<2048xi32, #tpu.memory_space<hbm>>)
        tpu.yield
      }) : () -> ()
    } else {
    }
    %mul3A_144 = arith.constant 2 : i32
    %mul3A_145 = arith.muli %mul3A_144, %add3A : i32
    %add3A_146 = arith.constant 0 : i32
    %add3A_147 = arith.addi %mul3A_145, %add3A_146 : i32
    %broadcast_in_dim3A = vector.broadcast %add3A_147 : i32 to vector<16xi32>
    %gather3A = tpu.vector_load_idx %arg8[%broadcast_in_dim3A] : memref<64xi32, #tpu.memory_space<vmem>>[vector<16xi32>], vector<16xi32>,
    %reduce_max3A = arith.constant true
    %reduce_max3A_148 = vector.broadcast %reduce_max3A : i1 to vector<16xi1>
    %reduce_max3A_149 = arith.constant -2147483648 : i32
    %reduce_max3A_150 = vector.broadcast %reduce_max3A_149 : i32 to vector<16xi32>
    %reduce_max3A_151 = arith.xori %gather3A, %reduce_max3A_150 : vector<16xi32>
    %reduce_max3A_152 = tpu.scan <max>, %reduce_max3A_151 masked %reduce_max3A_148 : vector<16xi32>, vector<16xi1> -> vector<16xi32>
    %reduce_max3A_153 = arith.xori %reduce_max3A_152, %reduce_max3A_150 : vector<16xi32>
    %reduce_max3A_154 = vector.extract %reduce_max3A_153[15] : i32 from vector<16xi32>
    %min3A = arith.constant 128 : i32
    %min3A_155 = arith.minsi %reduce_max3A_154, %min3A : i32
    %gt3A = arith.constant 0 : i32
    %gt3A_156 = arith.cmpi sgt, %min3A_155, %gt3A : i32
    %convert_element_type3A_157 = arith.extui %gt3A_156 : i1 to i32
    %cond3A_158 = arith.constant 0 : i32
    %cond3A_159 = arith.cmpi ne, %convert_element_type3A_157, %cond3A_158 : i32
    scf.if %cond3A_159 {
      %dma_start3A = arith.constant 0 : i32
      %dma_start3A_211 = tpu.memref_slice %arg9[%dma_start3A] : memref<128xi32, #tpu.memory_space<vmem>> -> memref<32xi32, #tpu.memory_space<vmem>>
      %dma_start3A_212 = arith.constant 0 : i32
      %dma_start3A_213 = arith.constant 0 : i32
      %dma_start3A_214 = tpu.memref_slice %arg4[%dma_start3A_212, %dma_start3A_213] : memref<2048x768xf32, #tpu.memory_space<hbm>> -> memref<2048x768xf32, #tpu.memory_space<hbm>>
      tpu.enqueue_indirect_dma source(%dma_start3A_214 : memref<2048x768xf32, #tpu.memory_space<hbm>>) target(%arg12 : memref<32x768xf32, #tpu.memory_space<vmem>>) offsets(%dma_start3A_211 : memref<32xi32, #tpu.memory_space<vmem>>) semaphore(%arg13 : memref<!tpu.dma_semaphore, #tpu.memory_space<semaphore_mem>>)
      %dma_wait3A = arith.constant 0 : i32
      %dma_wait3A_215 = tpu.memref_slice %arg9[%dma_wait3A] : memref<128xi32, #tpu.memory_space<vmem>> -> memref<32xi32, #tpu.memory_space<vmem>>
      %dma_wait3A_216 = arith.constant 0 : i32
      %dma_wait3A_217 = arith.constant 0 : i32
      %dma_wait3A_218 = tpu.memref_slice %arg4[%dma_wait3A_216, %dma_wait3A_217] : memref<2048x768xf32, #tpu.memory_space<hbm>> -> memref<2048x768xf32, #tpu.memory_space<hbm>>
      tpu.wait_indirect_dma semaphore(%arg13 : memref<!tpu.dma_semaphore, #tpu.memory_space<semaphore_mem>>) src(%dma_wait3A_218 : memref<2048x768xf32, #tpu.memory_space<hbm>>) dst(%arg12 : memref<32x768xf32, #tpu.memory_space<vmem>>)
      %add3A_219 = arith.constant 0 : i32
      %add3A_220 = arith.addi %mul3A_2, %add3A_219 : i32
      %add3A_221 = arith.constant 0 : i32
      %add3A_222 = arith.addi %add3A_220, %add3A_221 : i32
      "tpu.region"() ({
        %run_scoped3A = tpu.sem_alloc : memref<!tpu.dma_semaphore, #tpu.memory_space<semaphore_mem>>
        %dma_start3A_223 = arith.constant 0 : i32
        %dma_start3A_224 = tpu.memref_slice %arg5[%add3A_222, %dma_start3A_223] : memref<8192x768xf32, #tpu.memory_space<hbm>> -> memref<32x768xf32, #tpu.memory_space<hbm>>
        %dma_start3A_225 = arith.constant 0 : i32
        %dma_start3A_226 = tpu.memref_slice %arg5[%add3A_222, %dma_start3A_225] : memref<8192x768xf32, #tpu.memory_space<hbm>> -> memref<32x768xf32, #tpu.memory_space<hbm>>
        tpu.enqueue_dma source(%arg12 : memref<32x768xf32, #tpu.memory_space<vmem>>) target(%dma_start3A_226 : memref<32x768xf32, #tpu.memory_space<hbm>>) target_semaphore(%run_scoped3A : memref<!tpu.dma_semaphore, #tpu.memory_space<semaphore_mem>>)
        %dma_wait3A_227 = arith.constant 0 : i32
        %dma_wait3A_228 = tpu.memref_slice %arg5[%add3A_222, %dma_wait3A_227] : memref<8192x768xf32, #tpu.memory_space<hbm>> -> memref<32x768xf32, #tpu.memory_space<hbm>>
        %dma_wait3A_229 = arith.constant 0 : i32
        %dma_wait3A_230 = tpu.memref_slice %arg5[%add3A_222, %dma_wait3A_229] : memref<8192x768xf32, #tpu.memory_space<hbm>> -> memref<32x768xf32, #tpu.memory_space<hbm>>
        tpu.wait_dma2 semaphore(%run_scoped3A : memref<!tpu.dma_semaphore, #tpu.memory_space<semaphore_mem>>) src(%arg12 : memref<32x768xf32, #tpu.memory_space<vmem>>) dst(%dma_wait3A_230 : memref<32x768xf32, #tpu.memory_space<hbm>>)
        tpu.yield
      }) : () -> ()
    } else {
    }
    %gt3A_160 = arith.constant 32 : i32
    %gt3A_161 = arith.cmpi sgt, %min3A_155, %gt3A_160 : i32
    %convert_element_type3A_162 = arith.extui %gt3A_161 : i1 to i32
    %cond3A_163 = arith.constant 0 : i32
    %cond3A_164 = arith.cmpi ne, %convert_element_type3A_162, %cond3A_163 : i32
    scf.if %cond3A_164 {
      %dma_start3A = arith.constant 32 : i32
      %dma_start3A_211 = tpu.memref_slice %arg9[%dma_start3A] : memref<128xi32, #tpu.memory_space<vmem>> -> memref<32xi32, #tpu.memory_space<vmem>>
      %dma_start3A_212 = arith.constant 0 : i32
      %dma_start3A_213 = arith.constant 0 : i32
      %dma_start3A_214 = tpu.memref_slice %arg4[%dma_start3A_212, %dma_start3A_213] : memref<2048x768xf32, #tpu.memory_space<hbm>> -> memref<2048x768xf32, #tpu.memory_space<hbm>>
      tpu.enqueue_indirect_dma source(%dma_start3A_214 : memref<2048x768xf32, #tpu.memory_space<hbm>>) target(%arg12 : memref<32x768xf32, #tpu.memory_space<vmem>>) offsets(%dma_start3A_211 : memref<32xi32, #tpu.memory_space<vmem>>) semaphore(%arg13 : memref<!tpu.dma_semaphore, #tpu.memory_space<semaphore_mem>>)
      %dma_wait3A = arith.constant 32 : i32
      %dma_wait3A_215 = tpu.memref_slice %arg9[%dma_wait3A] : memref<128xi32, #tpu.memory_space<vmem>> -> memref<32xi32, #tpu.memory_space<vmem>>
      %dma_wait3A_216 = arith.constant 0 : i32
      %dma_wait3A_217 = arith.constant 0 : i32
      %dma_wait3A_218 = tpu.memref_slice %arg4[%dma_wait3A_216, %dma_wait3A_217] : memref<2048x768xf32, #tpu.memory_space<hbm>> -> memref<2048x768xf32, #tpu.memory_space<hbm>>
      tpu.wait_indirect_dma semaphore(%arg13 : memref<!tpu.dma_semaphore, #tpu.memory_space<semaphore_mem>>) src(%dma_wait3A_218 : memref<2048x768xf32, #tpu.memory_space<hbm>>) dst(%arg12 : memref<32x768xf32, #tpu.memory_space<vmem>>)
      %add3A_219 = arith.constant 0 : i32
      %add3A_220 = arith.addi %mul3A_2, %add3A_219 : i32
      %add3A_221 = arith.constant 32 : i32
      %add3A_222 = arith.addi %add3A_220, %add3A_221 : i32
      "tpu.region"() ({
        %run_scoped3A = tpu.sem_alloc : memref<!tpu.dma_semaphore, #tpu.memory_space<semaphore_mem>>
        %dma_start3A_223 = arith.constant 0 : i32
        %dma_start3A_224 = tpu.memref_slice %arg5[%add3A_222, %dma_start3A_223] : memref<8192x768xf32, #tpu.memory_space<hbm>> -> memref<32x768xf32, #tpu.memory_space<hbm>>
        %dma_start3A_225 = arith.constant 0 : i32
        %dma_start3A_226 = tpu.memref_slice %arg5[%add3A_222, %dma_start3A_225] : memref<8192x768xf32, #tpu.memory_space<hbm>> -> memref<32x768xf32, #tpu.memory_space<hbm>>
        tpu.enqueue_dma source(%arg12 : memref<32x768xf32, #tpu.memory_space<vmem>>) target(%dma_start3A_226 : memref<32x768xf32, #tpu.memory_space<hbm>>) target_semaphore(%run_scoped3A : memref<!tpu.dma_semaphore, #tpu.memory_space<semaphore_mem>>)
        %dma_wait3A_227 = arith.constant 0 : i32
        %dma_wait3A_228 = tpu.memref_slice %arg5[%add3A_222, %dma_wait3A_227] : memref<8192x768xf32, #tpu.memory_space<hbm>> -> memref<32x768xf32, #tpu.memory_space<hbm>>
        %dma_wait3A_229 = arith.constant 0 : i32
        %dma_wait3A_230 = tpu.memref_slice %arg5[%add3A_222, %dma_wait3A_229] : memref<8192x768xf32, #tpu.memory_space<hbm>> -> memref<32x768xf32, #tpu.memory_space<hbm>>
        tpu.wait_dma2 semaphore(%run_scoped3A : memref<!tpu.dma_semaphore, #tpu.memory_space<semaphore_mem>>) src(%arg12 : memref<32x768xf32, #tpu.memory_space<vmem>>) dst(%dma_wait3A_230 : memref<32x768xf32, #tpu.memory_space<hbm>>)
        tpu.yield
      }) : () -> ()
    } else {
    }
    %gt3A_165 = arith.constant 64 : i32
    %gt3A_166 = arith.cmpi sgt, %min3A_155, %gt3A_165 : i32
    %convert_element_type3A_167 = arith.extui %gt3A_166 : i1 to i32
    %cond3A_168 = arith.constant 0 : i32
    %cond3A_169 = arith.cmpi ne, %convert_element_type3A_167, %cond3A_168 : i32
    scf.if %cond3A_169 {
      %dma_start3A = arith.constant 64 : i32
      %dma_start3A_211 = tpu.memref_slice %arg9[%dma_start3A] : memref<128xi32, #tpu.memory_space<vmem>> -> memref<32xi32, #tpu.memory_space<vmem>>
      %dma_start3A_212 = arith.constant 0 : i32
      %dma_start3A_213 = arith.constant 0 : i32
      %dma_start3A_214 = tpu.memref_slice %arg4[%dma_start3A_212, %dma_start3A_213] : memref<2048x768xf32, #tpu.memory_space<hbm>> -> memref<2048x768xf32, #tpu.memory_space<hbm>>
      tpu.enqueue_indirect_dma source(%dma_start3A_214 : memref<2048x768xf32, #tpu.memory_space<hbm>>) target(%arg12 : memref<32x768xf32, #tpu.memory_space<vmem>>) offsets(%dma_start3A_211 : memref<32xi32, #tpu.memory_space<vmem>>) semaphore(%arg13 : memref<!tpu.dma_semaphore, #tpu.memory_space<semaphore_mem>>)
      %dma_wait3A = arith.constant 64 : i32
      %dma_wait3A_215 = tpu.memref_slice %arg9[%dma_wait3A] : memref<128xi32, #tpu.memory_space<vmem>> -> memref<32xi32, #tpu.memory_space<vmem>>
      %dma_wait3A_216 = arith.constant 0 : i32
      %dma_wait3A_217 = arith.constant 0 : i32
      %dma_wait3A_218 = tpu.memref_slice %arg4[%dma_wait3A_216, %dma_wait3A_217] : memref<2048x768xf32, #tpu.memory_space<hbm>> -> memref<2048x768xf32, #tpu.memory_space<hbm>>
      tpu.wait_indirect_dma semaphore(%arg13 : memref<!tpu.dma_semaphore, #tpu.memory_space<semaphore_mem>>) src(%dma_wait3A_218 : memref<2048x768xf32, #tpu.memory_space<hbm>>) dst(%arg12 : memref<32x768xf32, #tpu.memory_space<vmem>>)
      %add3A_219 = arith.constant 0 : i32
      %add3A_220 = arith.addi %mul3A_2, %add3A_219 : i32
      %add3A_221 = arith.constant 64 : i32
      %add3A_222 = arith.addi %add3A_220, %add3A_221 : i32
      "tpu.region"() ({
        %run_scoped3A = tpu.sem_alloc : memref<!tpu.dma_semaphore, #tpu.memory_space<semaphore_mem>>
        %dma_start3A_223 = arith.constant 0 : i32
        %dma_start3A_224 = tpu.memref_slice %arg5[%add3A_222, %dma_start3A_223] : memref<8192x768xf32, #tpu.memory_space<hbm>> -> memref<32x768xf32, #tpu.memory_space<hbm>>
        %dma_start3A_225 = arith.constant 0 : i32
        %dma_start3A_226 = tpu.memref_slice %arg5[%add3A_222, %dma_start3A_225] : memref<8192x768xf32, #tpu.memory_space<hbm>> -> memref<32x768xf32, #tpu.memory_space<hbm>>
        tpu.enqueue_dma source(%arg12 : memref<32x768xf32, #tpu.memory_space<vmem>>) target(%dma_start3A_226 : memref<32x768xf32, #tpu.memory_space<hbm>>) target_semaphore(%run_scoped3A : memref<!tpu.dma_semaphore, #tpu.memory_space<semaphore_mem>>)
        %dma_wait3A_227 = arith.constant 0 : i32
        %dma_wait3A_228 = tpu.memref_slice %arg5[%add3A_222, %dma_wait3A_227] : memref<8192x768xf32, #tpu.memory_space<hbm>> -> memref<32x768xf32, #tpu.memory_space<hbm>>
        %dma_wait3A_229 = arith.constant 0 : i32
        %dma_wait3A_230 = tpu.memref_slice %arg5[%add3A_222, %dma_wait3A_229] : memref<8192x768xf32, #tpu.memory_space<hbm>> -> memref<32x768xf32, #tpu.memory_space<hbm>>
        tpu.wait_dma2 semaphore(%run_scoped3A : memref<!tpu.dma_semaphore, #tpu.memory_space<semaphore_mem>>) src(%arg12 : memref<32x768xf32, #tpu.memory_space<vmem>>) dst(%dma_wait3A_230 : memref<32x768xf32, #tpu.memory_space<hbm>>)
        tpu.yield
      }) : () -> ()
    } else {
    }
    %gt3A_170 = arith.constant 96 : i32
    %gt3A_171 = arith.cmpi sgt, %min3A_155, %gt3A_170 : i32
    %convert_element_type3A_172 = arith.extui %gt3A_171 : i1 to i32
    %cond3A_173 = arith.constant 0 : i32
    %cond3A_174 = arith.cmpi ne, %convert_element_type3A_172, %cond3A_173 : i32
    scf.if %cond3A_174 {
      %dma_start3A = arith.constant 96 : i32
      %dma_start3A_211 = tpu.memref_slice %arg9[%dma_start3A] : memref<128xi32, #tpu.memory_space<vmem>> -> memref<32xi32, #tpu.memory_space<vmem>>
      %dma_start3A_212 = arith.constant 0 : i32
      %dma_start3A_213 = arith.constant 0 : i32
      %dma_start3A_214 = tpu.memref_slice %arg4[%dma_start3A_212, %dma_start3A_213] : memref<2048x768xf32, #tpu.memory_space<hbm>> -> memref<2048x768xf32, #tpu.memory_space<hbm>>
      tpu.enqueue_indirect_dma source(%dma_start3A_214 : memref<2048x768xf32, #tpu.memory_space<hbm>>) target(%arg12 : memref<32x768xf32, #tpu.memory_space<vmem>>) offsets(%dma_start3A_211 : memref<32xi32, #tpu.memory_space<vmem>>) semaphore(%arg13 : memref<!tpu.dma_semaphore, #tpu.memory_space<semaphore_mem>>)
      %dma_wait3A = arith.constant 96 : i32
      %dma_wait3A_215 = tpu.memref_slice %arg9[%dma_wait3A] : memref<128xi32, #tpu.memory_space<vmem>> -> memref<32xi32, #tpu.memory_space<vmem>>
      %dma_wait3A_216 = arith.constant 0 : i32
      %dma_wait3A_217 = arith.constant 0 : i32
      %dma_wait3A_218 = tpu.memref_slice %arg4[%dma_wait3A_216, %dma_wait3A_217] : memref<2048x768xf32, #tpu.memory_space<hbm>> -> memref<2048x768xf32, #tpu.memory_space<hbm>>
      tpu.wait_indirect_dma semaphore(%arg13 : memref<!tpu.dma_semaphore, #tpu.memory_space<semaphore_mem>>) src(%dma_wait3A_218 : memref<2048x768xf32, #tpu.memory_space<hbm>>) dst(%arg12 : memref<32x768xf32, #tpu.memory_space<vmem>>)
      %add3A_219 = arith.constant 0 : i32
      %add3A_220 = arith.addi %mul3A_2, %add3A_219 : i32
      %add3A_221 = arith.constant 96 : i32
      %add3A_222 = arith.addi %add3A_220, %add3A_221 : i32
      "tpu.region"() ({
        %run_scoped3A = tpu.sem_alloc : memref<!tpu.dma_semaphore, #tpu.memory_space<semaphore_mem>>
        %dma_start3A_223 = arith.constant 0 : i32
        %dma_start3A_224 = tpu.memref_slice %arg5[%add3A_222, %dma_start3A_223] : memref<8192x768xf32, #tpu.memory_space<hbm>> -> memref<32x768xf32, #tpu.memory_space<hbm>>
        %dma_start3A_225 = arith.constant 0 : i32
        %dma_start3A_226 = tpu.memref_slice %arg5[%add3A_222, %dma_start3A_225] : memref<8192x768xf32, #tpu.memory_space<hbm>> -> memref<32x768xf32, #tpu.memory_space<hbm>>
        tpu.enqueue_dma source(%arg12 : memref<32x768xf32, #tpu.memory_space<vmem>>) target(%dma_start3A_226 : memref<32x768xf32, #tpu.memory_space<hbm>>) target_semaphore(%run_scoped3A : memref<!tpu.dma_semaphore, #tpu.memory_space<semaphore_mem>>)
        %dma_wait3A_227 = arith.constant 0 : i32
        %dma_wait3A_228 = tpu.memref_slice %arg5[%add3A_222, %dma_wait3A_227] : memref<8192x768xf32, #tpu.memory_space<hbm>> -> memref<32x768xf32, #tpu.memory_space<hbm>>
        %dma_wait3A_229 = arith.constant 0 : i32
        %dma_wait3A_230 = tpu.memref_slice %arg5[%add3A_222, %dma_wait3A_229] : memref<8192x768xf32, #tpu.memory_space<hbm>> -> memref<32x768xf32, #tpu.memory_space<hbm>>
        tpu.wait_dma2 semaphore(%run_scoped3A : memref<!tpu.dma_semaphore, #tpu.memory_space<semaphore_mem>>) src(%arg12 : memref<32x768xf32, #tpu.memory_space<vmem>>) dst(%dma_wait3A_230 : memref<32x768xf32, #tpu.memory_space<hbm>>)
        tpu.yield
      }) : () -> ()
    } else {
    }
    %mul3A_175 = arith.constant 2 : i32
    %mul3A_176 = arith.muli %mul3A_175, %add3A : i32
    %add3A_177 = arith.constant 1 : i32
    %add3A_178 = arith.addi %mul3A_176, %add3A_177 : i32
    %broadcast_in_dim3A_179 = vector.broadcast %add3A_178 : i32 to vector<16xi32>
    %gather3A_180 = tpu.vector_load_idx %arg8[%broadcast_in_dim3A_179] : memref<64xi32, #tpu.memory_space<vmem>>[vector<16xi32>], vector<16xi32>,
    %reduce_max3A_181 = arith.constant true
    %reduce_max3A_182 = vector.broadcast %reduce_max3A_181 : i1 to vector<16xi1>
    %reduce_max3A_183 = arith.constant -2147483648 : i32
    %reduce_max3A_184 = vector.broadcast %reduce_max3A_183 : i32 to vector<16xi32>
    %reduce_max3A_185 = arith.xori %gather3A_180, %reduce_max3A_184 : vector<16xi32>
    %reduce_max3A_186 = tpu.scan <max>, %reduce_max3A_185 masked %reduce_max3A_182 : vector<16xi32>, vector<16xi1> -> vector<16xi32>
    %reduce_max3A_187 = arith.xori %reduce_max3A_186, %reduce_max3A_184 : vector<16xi32>
    %reduce_max3A_188 = vector.extract %reduce_max3A_187[15] : i32 from vector<16xi32>
    %min3A_189 = arith.constant 128 : i32
    %min3A_190 = arith.minsi %reduce_max3A_188, %min3A_189 : i32
    %gt3A_191 = arith.constant 0 : i32
    %gt3A_192 = arith.cmpi sgt, %min3A_190, %gt3A_191 : i32
    %convert_element_type3A_193 = arith.extui %gt3A_192 : i1 to i32
    %cond3A_194 = arith.constant 0 : i32
    %cond3A_195 = arith.cmpi ne, %convert_element_type3A_193, %cond3A_194 : i32
    scf.if %cond3A_195 {
      %dma_start3A = arith.constant 0 : i32
      %dma_start3A_211 = tpu.memref_slice %arg10[%dma_start3A] : memref<128xi32, #tpu.memory_space<vmem>> -> memref<32xi32, #tpu.memory_space<vmem>>
      %dma_start3A_212 = arith.constant 0 : i32
      %dma_start3A_213 = arith.constant 0 : i32
      %dma_start3A_214 = tpu.memref_slice %arg4[%dma_start3A_212, %dma_start3A_213] : memref<2048x768xf32, #tpu.memory_space<hbm>> -> memref<2048x768xf32, #tpu.memory_space<hbm>>
      tpu.enqueue_indirect_dma source(%dma_start3A_214 : memref<2048x768xf32, #tpu.memory_space<hbm>>) target(%arg12 : memref<32x768xf32, #tpu.memory_space<vmem>>) offsets(%dma_start3A_211 : memref<32xi32, #tpu.memory_space<vmem>>) semaphore(%arg13 : memref<!tpu.dma_semaphore, #tpu.memory_space<semaphore_mem>>)
      %dma_wait3A = arith.constant 0 : i32
      %dma_wait3A_215 = tpu.memref_slice %arg10[%dma_wait3A] : memref<128xi32, #tpu.memory_space<vmem>> -> memref<32xi32, #tpu.memory_space<vmem>>
      %dma_wait3A_216 = arith.constant 0 : i32
      %dma_wait3A_217 = arith.constant 0 : i32
      %dma_wait3A_218 = tpu.memref_slice %arg4[%dma_wait3A_216, %dma_wait3A_217] : memref<2048x768xf32, #tpu.memory_space<hbm>> -> memref<2048x768xf32, #tpu.memory_space<hbm>>
      tpu.wait_indirect_dma semaphore(%arg13 : memref<!tpu.dma_semaphore, #tpu.memory_space<semaphore_mem>>) src(%dma_wait3A_218 : memref<2048x768xf32, #tpu.memory_space<hbm>>) dst(%arg12 : memref<32x768xf32, #tpu.memory_space<vmem>>)
      %add3A_219 = arith.constant 128 : i32
      %add3A_220 = arith.addi %mul3A_2, %add3A_219 : i32
      %add3A_221 = arith.constant 0 : i32
      %add3A_222 = arith.addi %add3A_220, %add3A_221 : i32
      "tpu.region"() ({
        %run_scoped3A = tpu.sem_alloc : memref<!tpu.dma_semaphore, #tpu.memory_space<semaphore_mem>>
        %dma_start3A_223 = arith.constant 0 : i32
        %dma_start3A_224 = tpu.memref_slice %arg5[%add3A_222, %dma_start3A_223] : memref<8192x768xf32, #tpu.memory_space<hbm>> -> memref<32x768xf32, #tpu.memory_space<hbm>>
        %dma_start3A_225 = arith.constant 0 : i32
        %dma_start3A_226 = tpu.memref_slice %arg5[%add3A_222, %dma_start3A_225] : memref<8192x768xf32, #tpu.memory_space<hbm>> -> memref<32x768xf32, #tpu.memory_space<hbm>>
        tpu.enqueue_dma source(%arg12 : memref<32x768xf32, #tpu.memory_space<vmem>>) target(%dma_start3A_226 : memref<32x768xf32, #tpu.memory_space<hbm>>) target_semaphore(%run_scoped3A : memref<!tpu.dma_semaphore, #tpu.memory_space<semaphore_mem>>)
        %dma_wait3A_227 = arith.constant 0 : i32
        %dma_wait3A_228 = tpu.memref_slice %arg5[%add3A_222, %dma_wait3A_227] : memref<8192x768xf32, #tpu.memory_space<hbm>> -> memref<32x768xf32, #tpu.memory_space<hbm>>
        %dma_wait3A_229 = arith.constant 0 : i32
        %dma_wait3A_230 = tpu.memref_slice %arg5[%add3A_222, %dma_wait3A_229] : memref<8192x768xf32, #tpu.memory_space<hbm>> -> memref<32x768xf32, #tpu.memory_space<hbm>>
        tpu.wait_dma2 semaphore(%run_scoped3A : memref<!tpu.dma_semaphore, #tpu.memory_space<semaphore_mem>>) src(%arg12 : memref<32x768xf32, #tpu.memory_space<vmem>>) dst(%dma_wait3A_230 : memref<32x768xf32, #tpu.memory_space<hbm>>)
        tpu.yield
      }) : () -> ()
    } else {
    }
    %gt3A_196 = arith.constant 32 : i32
    %gt3A_197 = arith.cmpi sgt, %min3A_190, %gt3A_196 : i32
    %convert_element_type3A_198 = arith.extui %gt3A_197 : i1 to i32
    %cond3A_199 = arith.constant 0 : i32
    %cond3A_200 = arith.cmpi ne, %convert_element_type3A_198, %cond3A_199 : i32
    scf.if %cond3A_200 {
      %dma_start3A = arith.constant 32 : i32
      %dma_start3A_211 = tpu.memref_slice %arg10[%dma_start3A] : memref<128xi32, #tpu.memory_space<vmem>> -> memref<32xi32, #tpu.memory_space<vmem>>
      %dma_start3A_212 = arith.constant 0 : i32
      %dma_start3A_213 = arith.constant 0 : i32
      %dma_start3A_214 = tpu.memref_slice %arg4[%dma_start3A_212, %dma_start3A_213] : memref<2048x768xf32, #tpu.memory_space<hbm>> -> memref<2048x768xf32, #tpu.memory_space<hbm>>
      tpu.enqueue_indirect_dma source(%dma_start3A_214 : memref<2048x768xf32, #tpu.memory_space<hbm>>) target(%arg12 : memref<32x768xf32, #tpu.memory_space<vmem>>) offsets(%dma_start3A_211 : memref<32xi32, #tpu.memory_space<vmem>>) semaphore(%arg13 : memref<!tpu.dma_semaphore, #tpu.memory_space<semaphore_mem>>)
      %dma_wait3A = arith.constant 32 : i32
      %dma_wait3A_215 = tpu.memref_slice %arg10[%dma_wait3A] : memref<128xi32, #tpu.memory_space<vmem>> -> memref<32xi32, #tpu.memory_space<vmem>>
      %dma_wait3A_216 = arith.constant 0 : i32
      %dma_wait3A_217 = arith.constant 0 : i32
      %dma_wait3A_218 = tpu.memref_slice %arg4[%dma_wait3A_216, %dma_wait3A_217] : memref<2048x768xf32, #tpu.memory_space<hbm>> -> memref<2048x768xf32, #tpu.memory_space<hbm>>
      tpu.wait_indirect_dma semaphore(%arg13 : memref<!tpu.dma_semaphore, #tpu.memory_space<semaphore_mem>>) src(%dma_wait3A_218 : memref<2048x768xf32, #tpu.memory_space<hbm>>) dst(%arg12 : memref<32x768xf32, #tpu.memory_space<vmem>>)
      %add3A_219 = arith.constant 128 : i32
      %add3A_220 = arith.addi %mul3A_2, %add3A_219 : i32
      %add3A_221 = arith.constant 32 : i32
      %add3A_222 = arith.addi %add3A_220, %add3A_221 : i32
      "tpu.region"() ({
        %run_scoped3A = tpu.sem_alloc : memref<!tpu.dma_semaphore, #tpu.memory_space<semaphore_mem>>
        %dma_start3A_223 = arith.constant 0 : i32
        %dma_start3A_224 = tpu.memref_slice %arg5[%add3A_222, %dma_start3A_223] : memref<8192x768xf32, #tpu.memory_space<hbm>> -> memref<32x768xf32, #tpu.memory_space<hbm>>
        %dma_start3A_225 = arith.constant 0 : i32
        %dma_start3A_226 = tpu.memref_slice %arg5[%add3A_222, %dma_start3A_225] : memref<8192x768xf32, #tpu.memory_space<hbm>> -> memref<32x768xf32, #tpu.memory_space<hbm>>
        tpu.enqueue_dma source(%arg12 : memref<32x768xf32, #tpu.memory_space<vmem>>) target(%dma_start3A_226 : memref<32x768xf32, #tpu.memory_space<hbm>>) target_semaphore(%run_scoped3A : memref<!tpu.dma_semaphore, #tpu.memory_space<semaphore_mem>>)
        %dma_wait3A_227 = arith.constant 0 : i32
        %dma_wait3A_228 = tpu.memref_slice %arg5[%add3A_222, %dma_wait3A_227] : memref<8192x768xf32, #tpu.memory_space<hbm>> -> memref<32x768xf32, #tpu.memory_space<hbm>>
        %dma_wait3A_229 = arith.constant 0 : i32
        %dma_wait3A_230 = tpu.memref_slice %arg5[%add3A_222, %dma_wait3A_229] : memref<8192x768xf32, #tpu.memory_space<hbm>> -> memref<32x768xf32, #tpu.memory_space<hbm>>
        tpu.wait_dma2 semaphore(%run_scoped3A : memref<!tpu.dma_semaphore, #tpu.memory_space<semaphore_mem>>) src(%arg12 : memref<32x768xf32, #tpu.memory_space<vmem>>) dst(%dma_wait3A_230 : memref<32x768xf32, #tpu.memory_space<hbm>>)
        tpu.yield
      }) : () -> ()
    } else {
    }
    %gt3A_201 = arith.constant 64 : i32
    %gt3A_202 = arith.cmpi sgt, %min3A_190, %gt3A_201 : i32
    %convert_element_type3A_203 = arith.extui %gt3A_202 : i1 to i32
    %cond3A_204 = arith.constant 0 : i32
    %cond3A_205 = arith.cmpi ne, %convert_element_type3A_203, %cond3A_204 : i32
    scf.if %cond3A_205 {
      %dma_start3A = arith.constant 64 : i32
      %dma_start3A_211 = tpu.memref_slice %arg10[%dma_start3A] : memref<128xi32, #tpu.memory_space<vmem>> -> memref<32xi32, #tpu.memory_space<vmem>>
      %dma_start3A_212 = arith.constant 0 : i32
      %dma_start3A_213 = arith.constant 0 : i32
      %dma_start3A_214 = tpu.memref_slice %arg4[%dma_start3A_212, %dma_start3A_213] : memref<2048x768xf32, #tpu.memory_space<hbm>> -> memref<2048x768xf32, #tpu.memory_space<hbm>>
      tpu.enqueue_indirect_dma source(%dma_start3A_214 : memref<2048x768xf32, #tpu.memory_space<hbm>>) target(%arg12 : memref<32x768xf32, #tpu.memory_space<vmem>>) offsets(%dma_start3A_211 : memref<32xi32, #tpu.memory_space<vmem>>) semaphore(%arg13 : memref<!tpu.dma_semaphore, #tpu.memory_space<semaphore_mem>>)
      %dma_wait3A = arith.constant 64 : i32
      %dma_wait3A_215 = tpu.memref_slice %arg10[%dma_wait3A] : memref<128xi32, #tpu.memory_space<vmem>> -> memref<32xi32, #tpu.memory_space<vmem>>
      %dma_wait3A_216 = arith.constant 0 : i32
      %dma_wait3A_217 = arith.constant 0 : i32
      %dma_wait3A_218 = tpu.memref_slice %arg4[%dma_wait3A_216, %dma_wait3A_217] : memref<2048x768xf32, #tpu.memory_space<hbm>> -> memref<2048x768xf32, #tpu.memory_space<hbm>>
      tpu.wait_indirect_dma semaphore(%arg13 : memref<!tpu.dma_semaphore, #tpu.memory_space<semaphore_mem>>) src(%dma_wait3A_218 : memref<2048x768xf32, #tpu.memory_space<hbm>>) dst(%arg12 : memref<32x768xf32, #tpu.memory_space<vmem>>)
      %add3A_219 = arith.constant 128 : i32
      %add3A_220 = arith.addi %mul3A_2, %add3A_219 : i32
      %add3A_221 = arith.constant 64 : i32
      %add3A_222 = arith.addi %add3A_220, %add3A_221 : i32
      "tpu.region"() ({
        %run_scoped3A = tpu.sem_alloc : memref<!tpu.dma_semaphore, #tpu.memory_space<semaphore_mem>>
        %dma_start3A_223 = arith.constant 0 : i32
        %dma_start3A_224 = tpu.memref_slice %arg5[%add3A_222, %dma_start3A_223] : memref<8192x768xf32, #tpu.memory_space<hbm>> -> memref<32x768xf32, #tpu.memory_space<hbm>>
        %dma_start3A_225 = arith.constant 0 : i32
        %dma_start3A_226 = tpu.memref_slice %arg5[%add3A_222, %dma_start3A_225] : memref<8192x768xf32, #tpu.memory_space<hbm>> -> memref<32x768xf32, #tpu.memory_space<hbm>>
        tpu.enqueue_dma source(%arg12 : memref<32x768xf32, #tpu.memory_space<vmem>>) target(%dma_start3A_226 : memref<32x768xf32, #tpu.memory_space<hbm>>) target_semaphore(%run_scoped3A : memref<!tpu.dma_semaphore, #tpu.memory_space<semaphore_mem>>)
        %dma_wait3A_227 = arith.constant 0 : i32
        %dma_wait3A_228 = tpu.memref_slice %arg5[%add3A_222, %dma_wait3A_227] : memref<8192x768xf32, #tpu.memory_space<hbm>> -> memref<32x768xf32, #tpu.memory_space<hbm>>
        %dma_wait3A_229 = arith.constant 0 : i32
        %dma_wait3A_230 = tpu.memref_slice %arg5[%add3A_222, %dma_wait3A_229] : memref<8192x768xf32, #tpu.memory_space<hbm>> -> memref<32x768xf32, #tpu.memory_space<hbm>>
        tpu.wait_dma2 semaphore(%run_scoped3A : memref<!tpu.dma_semaphore, #tpu.memory_space<semaphore_mem>>) src(%arg12 : memref<32x768xf32, #tpu.memory_space<vmem>>) dst(%dma_wait3A_230 : memref<32x768xf32, #tpu.memory_space<hbm>>)
        tpu.yield
      }) : () -> ()
    } else {
    }
    %gt3A_206 = arith.constant 96 : i32
    %gt3A_207 = arith.cmpi sgt, %min3A_190, %gt3A_206 : i32
    %convert_element_type3A_208 = arith.extui %gt3A_207 : i1 to i32
    %cond3A_209 = arith.constant 0 : i32
    %cond3A_210 = arith.cmpi ne, %convert_element_type3A_208, %cond3A_209 : i32
    scf.if %cond3A_210 {
      %dma_start3A = arith.constant 96 : i32
      %dma_start3A_211 = tpu.memref_slice %arg10[%dma_start3A] : memref<128xi32, #tpu.memory_space<vmem>> -> memref<32xi32, #tpu.memory_space<vmem>>
      %dma_start3A_212 = arith.constant 0 : i32
      %dma_start3A_213 = arith.constant 0 : i32
      %dma_start3A_214 = tpu.memref_slice %arg4[%dma_start3A_212, %dma_start3A_213] : memref<2048x768xf32, #tpu.memory_space<hbm>> -> memref<2048x768xf32, #tpu.memory_space<hbm>>
      tpu.enqueue_indirect_dma source(%dma_start3A_214 : memref<2048x768xf32, #tpu.memory_space<hbm>>) target(%arg12 : memref<32x768xf32, #tpu.memory_space<vmem>>) offsets(%dma_start3A_211 : memref<32xi32, #tpu.memory_space<vmem>>) semaphore(%arg13 : memref<!tpu.dma_semaphore, #tpu.memory_space<semaphore_mem>>)
      %dma_wait3A = arith.constant 96 : i32
      %dma_wait3A_215 = tpu.memref_slice %arg10[%dma_wait3A] : memref<128xi32, #tpu.memory_space<vmem>> -> memref<32xi32, #tpu.memory_space<vmem>>
      %dma_wait3A_216 = arith.constant 0 : i32
      %dma_wait3A_217 = arith.constant 0 : i32
      %dma_wait3A_218 = tpu.memref_slice %arg4[%dma_wait3A_216, %dma_wait3A_217] : memref<2048x768xf32, #tpu.memory_space<hbm>> -> memref<2048x768xf32, #tpu.memory_space<hbm>>
      tpu.wait_indirect_dma semaphore(%arg13 : memref<!tpu.dma_semaphore, #tpu.memory_space<semaphore_mem>>) src(%dma_wait3A_218 : memref<2048x768xf32, #tpu.memory_space<hbm>>) dst(%arg12 : memref<32x768xf32, #tpu.memory_space<vmem>>)
      %add3A_219 = arith.constant 128 : i32
      %add3A_220 = arith.addi %mul3A_2, %add3A_219 : i32
      %add3A_221 = arith.constant 96 : i32
      %add3A_222 = arith.addi %add3A_220, %add3A_221 : i32
      "tpu.region"() ({
        %run_scoped3A = tpu.sem_alloc : memref<!tpu.dma_semaphore, #tpu.memory_space<semaphore_mem>>
        %dma_start3A_223 = arith.constant 0 : i32
        %dma_start3A_224 = tpu.memref_slice %arg5[%add3A_222, %dma_start3A_223] : memref<8192x768xf32, #tpu.memory_space<hbm>> -> memref<32x768xf32, #tpu.memory_space<hbm>>
        %dma_start3A_225 = arith.constant 0 : i32
        %dma_start3A_226 = tpu.memref_slice %arg5[%add3A_222, %dma_start3A_225] : memref<8192x768xf32, #tpu.memory_space<hbm>> -> memref<32x768xf32, #tpu.memory_space<hbm>>
        tpu.enqueue_dma source(%arg12 : memref<32x768xf32, #tpu.memory_space<vmem>>) target(%dma_start3A_226 : memref<32x768xf32, #tpu.memory_space<hbm>>) target_semaphore(%run_scoped3A : memref<!tpu.dma_semaphore, #tpu.memory_space<semaphore_mem>>)
        %dma_wait3A_227 = arith.constant 0 : i32
        %dma_wait3A_228 = tpu.memref_slice %arg5[%add3A_222, %dma_wait3A_227] : memref<8192x768xf32, #tpu.memory_space<hbm>> -> memref<32x768xf32, #tpu.memory_space<hbm>>
        %dma_wait3A_229 = arith.constant 0 : i32
        %dma_wait3A_230 = tpu.memref_slice %arg5[%add3A_222, %dma_wait3A_229] : memref<8192x768xf32, #tpu.memory_space<hbm>> -> memref<32x768xf32, #tpu.memory_space<hbm>>
        tpu.wait_dma2 semaphore(%run_scoped3A : memref<!tpu.dma_semaphore, #tpu.memory_space<semaphore_mem>>) src(%arg12 : memref<32x768xf32, #tpu.memory_space<vmem>>) dst(%dma_wait3A_230 : memref<32x768xf32, #tpu.memory_space<hbm>>)
        tpu.yield
      }) : () -> ()
    } else {
    }
    return
  }
}

module attributes {stable_mosaic.version = 14 : i64} {
  func.func @_router_body(%arg0: i32, %arg1: memref<256x768xf32, #tpu.memory_space<vmem>>, %arg2: memref<64x768xf32, #tpu.memory_space<vmem>>, %arg3: memref<1x64xf32, #tpu.memory_space<vmem>>, %arg4: memref<1x1x256xi32, #tpu.memory_space<vmem>>, %arg5: memref<1x1x256xf32, #tpu.memory_space<vmem>>, %arg6: memref<1x64xi32, #tpu.memory_space<vmem>>, %arg7: memref<1x64xf32, #tpu.memory_space<vmem>>) attributes {dimension_semantics = [#tpu.dimension_semantics<arbitrary>], iteration_bounds = array<i64: 8>, scalar_prefetch = 0 : i64, scratch_operands = 1 : i64, tpu.core_type = #tpu.core_type<tc>, window_params = [{transform_indices = @transform_0, window_bounds = array<i64: 256, 768>}, {pipeline_mode = #tpu.pipeline_mode<synchronous>, transform_indices = @transform_1, window_bounds = array<i64: 64, 768>}, {pipeline_mode = #tpu.pipeline_mode<synchronous>, transform_indices = @transform_2, window_bounds = array<i64: 1, 64>}, {transform_indices = @transform_3, window_bounds = array<i64: 1, 1, 256>}, {transform_indices = @transform_4, window_bounds = array<i64: 1, 1, 256>}, {pipeline_mode = #tpu.pipeline_mode<synchronous>, transform_indices = @transform_5, window_bounds = array<i64: 1, 64>}]} {
    %eq3A = arith.constant 0 : i32
    %eq3A_0 = arith.cmpi eq, %arg0, %eq3A : i32
    %convert_element_type3A = arith.extui %eq3A_0 : i1 to i32
    %cond3A = arith.constant 0 : i32
    %cond3A_1 = arith.cmpi ne, %convert_element_type3A, %cond3A : i32
    scf.if %cond3A_1 {
      %broadcast_in_dim3A_107 = arith.constant 0.000000e+00 : f32
      %broadcast_in_dim3A_108 = vector.broadcast %broadcast_in_dim3A_107 : f32 to vector<1x64xf32>
      %swap3A_109 = arith.constant 0 : index
      %swap3A_110 = arith.constant 0 : index
      %swap3A_111 = vector.load %arg7[%swap3A_109, %swap3A_110] : memref<1x64xf32, #tpu.memory_space<vmem>>, vector<1x64xf32>
      tpu.vector_store %arg7[%swap3A_109, %swap3A_110], %broadcast_in_dim3A_108 {strides = array<i32>} : memref<1x64xf32, #tpu.memory_space<vmem>>, vector<1x64xf32>,
    } else {
    }
    %get3A = arith.constant 0 : index
    %get3A_2 = arith.constant 0 : index
    %get3A_3 = vector.load %arg1[%get3A, %get3A_2] : memref<256x768xf32, #tpu.memory_space<vmem>>, vector<256x768xf32>
    %get3A_4 = arith.constant 0 : index
    %get3A_5 = arith.constant 0 : index
    %get3A_6 = vector.load %arg2[%get3A_4, %get3A_5] : memref<64x768xf32, #tpu.memory_space<vmem>>, vector<64x768xf32>
    %dot_general3A = arith.constant dense<0.000000e+00> : vector<256x64xf32>
    %dot_general3A_7 = tpu.matmul %get3A_3, %get3A_6, %dot_general3A {dimension_numbers = #tpu.dot_dimension_numbers<[1], [1], [0], [0], [0, 0, 1, 0], [], []>, transpose_lhs_hint = false} : vector<256x768xf32>, vector<64x768xf32>, vector<256x64xf32> -> vector<256x64xf32>
    %get3A_8 = arith.constant 0 : index
    %get3A_9 = arith.constant 0 : index
    %get3A_10 = vector.load %arg3[%get3A_8, %get3A_9] : memref<1x64xf32, #tpu.memory_space<vmem>>, vector<1x64xf32>
    %add3A = vector.broadcast %get3A_10 : vector<1x64xf32> to vector<256x64xf32>
    %add3A_11 = arith.addf %dot_general3A_7, %add3A : vector<256x64xf32>
    %reduce_max3A = arith.constant dense<0xFF800000> : vector<256xf32>
    %reduce_max3A_12 = vector.multi_reduction <maximumf>, %add3A_11, %reduce_max3A [1] : vector<256x64xf32> to vector<256xf32>
    %broadcast_in_dim3A = vector.shape_cast %reduce_max3A_12 : vector<256xf32> to vector<256x1xf32>
    %sub3A = vector.broadcast %broadcast_in_dim3A : vector<256x1xf32> to vector<256x64xf32>
    %sub3A_13 = arith.subf %add3A_11, %sub3A : vector<256x64xf32>
    %exp3A = math.exp %sub3A_13 : vector<256x64xf32>
    %reduce_sum3A = arith.constant dense<0.000000e+00> : vector<256xf32>
    %reduce_sum3A_14 = vector.multi_reduction <add>, %exp3A, %reduce_sum3A [1] : vector<256x64xf32> to vector<256xf32>
    %div3A = arith.constant 1.000000e+00 : f32
    %div3A_15 = vector.broadcast %div3A : f32 to vector<256xf32>
    %div3A_16 = arith.divf %div3A_15, %reduce_sum3A_14 : vector<256xf32>
    %add3A_17 = arith.constant 9.99999993E-9 : f32
    %add3A_18 = vector.broadcast %add3A_17 : f32 to vector<256xf32>
    %add3A_19 = arith.addf %div3A_16, %add3A_18 : vector<256xf32>
    %div3A_20 = arith.divf %div3A_16, %add3A_19 : vector<256xf32>
    %iota3A = tpu.iota {dimensions = array<i32: 1>} : vector<256x64xi32>
    %eq3A_21 = vector.broadcast %broadcast_in_dim3A : vector<256x1xf32> to vector<256x64xf32>
    %eq3A_22 = arith.cmpf oeq, %add3A_11, %eq3A_21 : vector<256x64xf32>
    %jit3A = arith.constant 64 : i32
    %broadcast_in_dim3A_23 = vector.broadcast %jit3A : i32 to vector<256x64xi32>
    %select_n3A = arith.select %eq3A_22, %iota3A, %broadcast_in_dim3A_23 : vector<256x64xi1>, vector<256x64xi32>
    %reduce_min3A = arith.constant dense<2147483647> : vector<256xi32>
    %reduce_min3A_24 = vector.multi_reduction <minsi>, %select_n3A, %reduce_min3A [1] : vector<256x64xi32> to vector<256xi32>
    %broadcast_in_dim3A_25 = vector.shape_cast %reduce_min3A_24 : vector<256xi32> to vector<256x1xi32>
    %eq3A_26 = vector.broadcast %broadcast_in_dim3A_25 : vector<256x1xi32> to vector<256x64xi32>
    %eq3A_27 = arith.cmpi eq, %iota3A, %eq3A_26 : vector<256x64xi32>
    %convert_element_type3A_28 = arith.extui %eq3A_27 : vector<256x64xi1> to vector<256x64xi32>
    %convert_element_type3A_29 = arith.sitofp %convert_element_type3A_28 : vector<256x64xi32> to vector<256x64xf32>
    %broadcast_in_dim3A_30 = arith.constant 0.000000e+00 : f32
    %broadcast_in_dim3A_31 = vector.broadcast %broadcast_in_dim3A_30 : f32 to vector<1x64xf32>
    %slice3A = vector.extract_strided_slice %convert_element_type3A_29 {offsets = [0, 0], sizes = [255, 64], strides = [1, 1]} : vector<256x64xf32> to vector<255x64xf32>
    %concatenate3A = tpu.concatenate %broadcast_in_dim3A_31, %slice3A in 0 : vector<1x64xf32>, vector<255x64xf32> -> vector<256x64xf32>
    %add3A_32 = arith.addf %convert_element_type3A_29, %concatenate3A : vector<256x64xf32>
    %broadcast_in_dim3A_33 = arith.constant 0.000000e+00 : f32
    %broadcast_in_dim3A_34 = vector.broadcast %broadcast_in_dim3A_33 : f32 to vector<2x64xf32>
    %slice3A_35 = vector.extract_strided_slice %add3A_32 {offsets = [0, 0], sizes = [254, 64], strides = [1, 1]} : vector<256x64xf32> to vector<254x64xf32>
    %concatenate3A_36 = tpu.concatenate %broadcast_in_dim3A_34, %slice3A_35 in 0 : vector<2x64xf32>, vector<254x64xf32> -> vector<256x64xf32>
    %add3A_37 = arith.addf %add3A_32, %concatenate3A_36 : vector<256x64xf32>
    %broadcast_in_dim3A_38 = arith.constant 0.000000e+00 : f32
    %broadcast_in_dim3A_39 = vector.broadcast %broadcast_in_dim3A_38 : f32 to vector<4x64xf32>
    %slice3A_40 = vector.extract_strided_slice %add3A_37 {offsets = [0, 0], sizes = [252, 64], strides = [1, 1]} : vector<256x64xf32> to vector<252x64xf32>
    %concatenate3A_41 = tpu.concatenate %broadcast_in_dim3A_39, %slice3A_40 in 0 : vector<4x64xf32>, vector<252x64xf32> -> vector<256x64xf32>
    %add3A_42 = arith.addf %add3A_37, %concatenate3A_41 : vector<256x64xf32>
    %broadcast_in_dim3A_43 = arith.constant 0.000000e+00 : f32
    %broadcast_in_dim3A_44 = vector.broadcast %broadcast_in_dim3A_43 : f32 to vector<8x64xf32>
    %slice3A_45 = vector.extract_strided_slice %add3A_42 {offsets = [0, 0], sizes = [248, 64], strides = [1, 1]} : vector<256x64xf32> to vector<248x64xf32>
    %concatenate3A_46 = tpu.concatenate %broadcast_in_dim3A_44, %slice3A_45 in 0 : vector<8x64xf32>, vector<248x64xf32> -> vector<256x64xf32>
    %add3A_47 = arith.addf %add3A_42, %concatenate3A_46 : vector<256x64xf32>
    %broadcast_in_dim3A_48 = arith.constant 0.000000e+00 : f32
    %broadcast_in_dim3A_49 = vector.broadcast %broadcast_in_dim3A_48 : f32 to vector<16x64xf32>
    %slice3A_50 = vector.extract_strided_slice %add3A_47 {offsets = [0, 0], sizes = [240, 64], strides = [1, 1]} : vector<256x64xf32> to vector<240x64xf32>
    %concatenate3A_51 = tpu.concatenate %broadcast_in_dim3A_49, %slice3A_50 in 0 : vector<16x64xf32>, vector<240x64xf32> -> vector<256x64xf32>
    %add3A_52 = arith.addf %add3A_47, %concatenate3A_51 : vector<256x64xf32>
    %broadcast_in_dim3A_53 = arith.constant 0.000000e+00 : f32
    %broadcast_in_dim3A_54 = vector.broadcast %broadcast_in_dim3A_53 : f32 to vector<32x64xf32>
    %slice3A_55 = vector.extract_strided_slice %add3A_52 {offsets = [0, 0], sizes = [224, 64], strides = [1, 1]} : vector<256x64xf32> to vector<224x64xf32>
    %concatenate3A_56 = tpu.concatenate %broadcast_in_dim3A_54, %slice3A_55 in 0 : vector<32x64xf32>, vector<224x64xf32> -> vector<256x64xf32>
    %add3A_57 = arith.addf %add3A_52, %concatenate3A_56 : vector<256x64xf32>
    %broadcast_in_dim3A_58 = arith.constant 0.000000e+00 : f32
    %broadcast_in_dim3A_59 = vector.broadcast %broadcast_in_dim3A_58 : f32 to vector<64x64xf32>
    %slice3A_60 = vector.extract_strided_slice %add3A_57 {offsets = [0, 0], sizes = [192, 64], strides = [1, 1]} : vector<256x64xf32> to vector<192x64xf32>
    %concatenate3A_61 = tpu.concatenate %broadcast_in_dim3A_59, %slice3A_60 in 0 : vector<64x64xf32>, vector<192x64xf32> -> vector<256x64xf32>
    %add3A_62 = arith.addf %add3A_57, %concatenate3A_61 : vector<256x64xf32>
    %broadcast_in_dim3A_63 = arith.constant 0.000000e+00 : f32
    %broadcast_in_dim3A_64 = vector.broadcast %broadcast_in_dim3A_63 : f32 to vector<128x64xf32>
    %slice3A_65 = vector.extract_strided_slice %add3A_62 {offsets = [0, 0], sizes = [128, 64], strides = [1, 1]} : vector<256x64xf32> to vector<128x64xf32>
    %concatenate3A_66 = tpu.concatenate %broadcast_in_dim3A_64, %slice3A_65 in 0 : vector<128x64xf32>, vector<128x64xf32> -> vector<256x64xf32>
    %add3A_67 = arith.addf %add3A_62, %concatenate3A_66 : vector<256x64xf32>
    %get3A_68 = arith.constant 0 : index
    %get3A_69 = arith.constant 0 : index
    %get3A_70 = vector.load %arg7[%get3A_68, %get3A_69] : memref<1x64xf32, #tpu.memory_space<vmem>>, vector<1x64xf32>
    %add3A_71 = vector.broadcast %get3A_70 : vector<1x64xf32> to vector<256x64xf32>
    %add3A_72 = arith.addf %add3A_67, %add3A_71 : vector<256x64xf32>
    %mul3A = arith.mulf %convert_element_type3A_29, %add3A_72 : vector<256x64xf32>
    %reduce_sum3A_73 = arith.constant dense<0.000000e+00> : vector<256xf32>
    %reduce_sum3A_74 = vector.multi_reduction <add>, %mul3A, %reduce_sum3A_73 [1] : vector<256x64xf32> to vector<256xf32>
    %sub3A_75 = arith.constant 1.000000e+00 : f32
    %sub3A_76 = vector.broadcast %sub3A_75 : f32 to vector<256xf32>
    %sub3A_77 = arith.subf %reduce_sum3A_74, %sub3A_76 : vector<256xf32>
    %reduce_sum3A_78 = arith.constant dense<0.000000e+00> : vector<64xf32>
    %reduce_sum3A_79 = vector.multi_reduction <add>, %convert_element_type3A_29, %reduce_sum3A_78 [0] : vector<256x64xf32> to vector<64xf32>
    %broadcast_in_dim3A_80 = vector.shape_cast %reduce_sum3A_79 : vector<64xf32> to vector<1x64xf32>
    %add3A_81 = arith.addf %get3A_70, %broadcast_in_dim3A_80 : vector<1x64xf32>
    %swap3A = arith.constant 0 : index
    %swap3A_82 = arith.constant 0 : index
    %swap3A_83 = vector.load %arg7[%swap3A, %swap3A_82] : memref<1x64xf32, #tpu.memory_space<vmem>>, vector<1x64xf32>
    tpu.vector_store %arg7[%swap3A, %swap3A_82], %add3A_81 {strides = array<i32>} : memref<1x64xf32, #tpu.memory_space<vmem>>, vector<1x64xf32>,
    %convert_element_type3A_84 = arith.fptosi %add3A_81 : vector<1x64xf32> to vector<1x64xi32>
    %swap3A_85 = arith.constant 0 : index
    %swap3A_86 = arith.constant 0 : index
    %swap3A_87 = vector.load %arg6[%swap3A_85, %swap3A_86] : memref<1x64xi32, #tpu.memory_space<vmem>>, vector<1x64xi32>
    tpu.vector_store %arg6[%swap3A_85, %swap3A_86], %convert_element_type3A_84 {strides = array<i32>} : memref<1x64xi32, #tpu.memory_space<vmem>>, vector<1x64xi32>,
    %convert_element_type3A_88 = arith.fptosi %sub3A_77 : vector<256xf32> to vector<256xi32>
    %mul3A_89 = arith.constant 2048 : i32
    %mul3A_90 = vector.broadcast %mul3A_89 : i32 to vector<256xi32>
    %mul3A_91 = arith.muli %reduce_min3A_24, %mul3A_90 : vector<256xi32>
    %add3A_92 = arith.addi %mul3A_91, %convert_element_type3A_88 : vector<256xi32>
    %ge3A = arith.constant 128 : i32
    %ge3A_93 = vector.broadcast %ge3A : i32 to vector<256xi32>
    %ge3A_94 = arith.cmpi sge, %convert_element_type3A_88, %ge3A_93 : vector<256xi32>
    %jit3A_95 = arith.constant 0.000000e+00 : f32
    %broadcast_in_dim3A_96 = vector.broadcast %jit3A_95 : f32 to vector<256xf32>
    %select_n3A_97 = arith.select %ge3A_94, %broadcast_in_dim3A_96, %div3A_20 : vector<256xi1>, vector<256xf32>
    %reshape3A = vector.shape_cast %add3A_92 : vector<256xi32> to vector<1x1x256xi32>
    %swap3A_98 = arith.constant 0 : index
    %swap3A_99 = arith.constant 0 : index
    %swap3A_100 = arith.constant 0 : index
    %swap3A_101 = vector.load %arg4[%swap3A_98, %swap3A_99, %swap3A_100] : memref<1x1x256xi32, #tpu.memory_space<vmem>>, vector<1x1x256xi32>
    tpu.vector_store %arg4[%swap3A_98, %swap3A_99, %swap3A_100], %reshape3A {strides = array<i32>} : memref<1x1x256xi32, #tpu.memory_space<vmem>>, vector<1x1x256xi32>,
    %reshape3A_102 = vector.shape_cast %select_n3A_97 : vector<256xf32> to vector<1x1x256xf32>
    %swap3A_103 = arith.constant 0 : index
    %swap3A_104 = arith.constant 0 : index
    %swap3A_105 = arith.constant 0 : index
    %swap3A_106 = vector.load %arg5[%swap3A_103, %swap3A_104, %swap3A_105] : memref<1x1x256xf32, #tpu.memory_space<vmem>>, vector<1x1x256xf32>
    tpu.vector_store %arg5[%swap3A_103, %swap3A_104, %swap3A_105], %reshape3A_102 {strides = array<i32>} : memref<1x1x256xf32, #tpu.memory_space<vmem>>, vector<1x1x256xf32>,
    return
  }
  func.func @transform_0(%arg0: i32) -> (i32, i32) {
    %c0_i32 = arith.constant 0 : i32
    %c0_i32_0 = arith.constant 0 : i32
    return %arg0, %c0_i32 : i32, i32
  }
  func.func @transform_1(%arg0: i32) -> (i32, i32) {
    %c0_i32 = arith.constant 0 : i32
    %c0_i32_0 = arith.constant 0 : i32
    %c0_i32_1 = arith.constant 0 : i32
    return %c0_i32, %c0_i32_0 : i32, i32
  }
  func.func @transform_2(%arg0: i32) -> (i32, i32) {
    %c0_i32 = arith.constant 0 : i32
    %c0_i32_0 = arith.constant 0 : i32
    %c0_i32_1 = arith.constant 0 : i32
    return %c0_i32, %c0_i32_0 : i32, i32
  }
  func.func @transform_3(%arg0: i32) -> (i32, i32, i32) {
    %c0_i32 = arith.constant 0 : i32
    %c0_i32_0 = arith.constant 0 : i32
    %c0_i32_1 = arith.constant 0 : i32
    return %arg0, %c0_i32, %c0_i32_0 : i32, i32, i32
  }
  func.func @transform_4(%arg0: i32) -> (i32, i32, i32) {
    %c0_i32 = arith.constant 0 : i32
    %c0_i32_0 = arith.constant 0 : i32
    %c0_i32_1 = arith.constant 0 : i32
    return %arg0, %c0_i32, %c0_i32_0 : i32, i32, i32
  }
  func.func @transform_5(%arg0: i32) -> (i32, i32) {
    %c0_i32 = arith.constant 0 : i32
    %c0_i32_0 = arith.constant 0 : i32
    %c0_i32_1 = arith.constant 0 : i32
    return %c0_i32, %c0_i32_0 : i32, i32
  }
}

module attributes {stable_mosaic.version = 14 : i64} {
  func.func @_experts_body(%arg0: i32, %arg1: memref<128x768xf32, #tpu.memory_space<vmem>>, %arg2: memref<1x256x768xf32, #tpu.memory_space<vmem>>, %arg3: memref<1x256x768xf32, #tpu.memory_space<vmem>>, %arg4: memref<1x768x256xf32, #tpu.memory_space<vmem>>, %arg5: memref<128x768xf32, #tpu.memory_space<vmem>>) attributes {dimension_semantics = [#tpu.dimension_semantics<arbitrary>], iteration_bounds = array<i64: 64>, scalar_prefetch = 0 : i64, scratch_operands = 0 : i64, tpu.core_type = #tpu.core_type<tc>, window_params = [{transform_indices = @transform_0, window_bounds = array<i64: 128, 768>}, {transform_indices = @transform_1, window_bounds = array<i64: 1, 256, 768>}, {transform_indices = @transform_2, window_bounds = array<i64: 1, 256, 768>}, {transform_indices = @transform_3, window_bounds = array<i64: 1, 768, 256>}, {transform_indices = @transform_4, window_bounds = array<i64: 128, 768>}]} {
    %get3A = arith.constant 0 : index
    %get3A_0 = arith.constant 0 : index
    %get3A_1 = vector.load %arg1[%get3A, %get3A_0] : memref<128x768xf32, #tpu.memory_space<vmem>>, vector<128x768xf32>
    %get3A_2 = arith.constant 0 : index
    %get3A_3 = arith.constant 0 : index
    %get3A_4 = arith.constant 0 : index
    %get3A_5 = vector.load %arg2[%get3A_2, %get3A_3, %get3A_4] : memref<1x256x768xf32, #tpu.memory_space<vmem>>, vector<1x256x768xf32>
    %get3A_6 = vector.shape_cast %get3A_5 : vector<1x256x768xf32> to vector<256x768xf32>
    %get3A_7 = arith.constant 0 : index
    %get3A_8 = arith.constant 0 : index
    %get3A_9 = arith.constant 0 : index
    %get3A_10 = vector.load %arg3[%get3A_7, %get3A_8, %get3A_9] : memref<1x256x768xf32, #tpu.memory_space<vmem>>, vector<1x256x768xf32>
    %get3A_11 = vector.shape_cast %get3A_10 : vector<1x256x768xf32> to vector<256x768xf32>
    %get3A_12 = arith.constant 0 : index
    %get3A_13 = arith.constant 0 : index
    %get3A_14 = arith.constant 0 : index
    %get3A_15 = vector.load %arg4[%get3A_12, %get3A_13, %get3A_14] : memref<1x768x256xf32, #tpu.memory_space<vmem>>, vector<1x768x256xf32>
    %get3A_16 = vector.shape_cast %get3A_15 : vector<1x768x256xf32> to vector<768x256xf32>
    %dot_general3A = arith.constant dense<0.000000e+00> : vector<128x256xf32>
    %dot_general3A_17 = tpu.matmul %get3A_1, %get3A_6, %dot_general3A {dimension_numbers = #tpu.dot_dimension_numbers<[1], [1], [0], [0], [0, 0, 1, 0], [], []>, transpose_lhs_hint = false} : vector<128x768xf32>, vector<256x768xf32>, vector<128x256xf32> -> vector<128x256xf32>
    %dot_general3A_18 = arith.constant dense<0.000000e+00> : vector<128x256xf32>
    %dot_general3A_19 = tpu.matmul %get3A_1, %get3A_11, %dot_general3A_18 {dimension_numbers = #tpu.dot_dimension_numbers<[1], [1], [0], [0], [0, 0, 1, 0], [], []>, transpose_lhs_hint = false} : vector<128x768xf32>, vector<256x768xf32>, vector<128x256xf32> -> vector<128x256xf32>
    %neg3A = arith.constant 0.000000e+00 : f32
    %neg3A_20 = vector.broadcast %neg3A : f32 to vector<128x256xf32>
    %neg3A_21 = arith.subf %neg3A_20, %dot_general3A_17 : vector<128x256xf32>
    %exp3A = math.exp %neg3A_21 : vector<128x256xf32>
    %add3A = arith.constant 1.000000e+00 : f32
    %add3A_22 = vector.broadcast %add3A : f32 to vector<128x256xf32>
    %add3A_23 = arith.addf %add3A_22, %exp3A : vector<128x256xf32>
    %div3A = arith.divf %dot_general3A_17, %add3A_23 : vector<128x256xf32>
    %mul3A = arith.mulf %div3A, %dot_general3A_19 : vector<128x256xf32>
    %dot_general3A_24 = arith.constant dense<0.000000e+00> : vector<128x768xf32>
    %dot_general3A_25 = tpu.matmul %mul3A, %get3A_16, %dot_general3A_24 {dimension_numbers = #tpu.dot_dimension_numbers<[1], [1], [0], [0], [0, 0, 1, 0], [], []>, transpose_lhs_hint = false} : vector<128x256xf32>, vector<768x256xf32>, vector<128x768xf32> -> vector<128x768xf32>
    %swap3A = arith.constant 0 : index
    %swap3A_26 = arith.constant 0 : index
    %swap3A_27 = vector.load %arg5[%swap3A, %swap3A_26] : memref<128x768xf32, #tpu.memory_space<vmem>>, vector<128x768xf32>
    tpu.vector_store %arg5[%swap3A, %swap3A_26], %dot_general3A_25 {strides = array<i32>} : memref<128x768xf32, #tpu.memory_space<vmem>>, vector<128x768xf32>,
    return
  }
  func.func @transform_0(%arg0: i32) -> (i32, i32) {
    %c0_i32 = arith.constant 0 : i32
    %c0_i32_0 = arith.constant 0 : i32
    return %arg0, %c0_i32 : i32, i32
  }
  func.func @transform_1(%arg0: i32) -> (i32, i32, i32) {
    %c0_i32 = arith.constant 0 : i32
    %c0_i32_0 = arith.constant 0 : i32
    %c0_i32_1 = arith.constant 0 : i32
    return %arg0, %c0_i32, %c0_i32_0 : i32, i32, i32
  }
  func.func @transform_2(%arg0: i32) -> (i32, i32, i32) {
    %c0_i32 = arith.constant 0 : i32
    %c0_i32_0 = arith.constant 0 : i32
    %c0_i32_1 = arith.constant 0 : i32
    return %arg0, %c0_i32, %c0_i32_0 : i32, i32, i32
  }
  func.func @transform_3(%arg0: i32) -> (i32, i32, i32) {
    %c0_i32 = arith.constant 0 : i32
    %c0_i32_0 = arith.constant 0 : i32
    %c0_i32_1 = arith.constant 0 : i32
    return %arg0, %c0_i32, %c0_i32_0 : i32, i32, i32
  }
  func.func @transform_4(%arg0: i32) -> (i32, i32) {
    %c0_i32 = arith.constant 0 : i32
    %c0_i32_0 = arith.constant 0 : i32
    return %arg0, %c0_i32 : i32, i32
  }
}

</mosaic_0001>

<sc_bundles>
// kernel: kernel.6.cloned.1.call-start
scs
__scs_entry_jumppad:
0x0: {  	(pc) =	sbr.rel $0x88, $3  }
0x1: {  	(tag) =	ssettag $0x0;
	lr =	simm.s32 $0x1  }
0x2: {  	[smem:$0x3F9B] =	sst lr;
	_ =	strace $0xD0000000  }
0x3: {  	_ = 	snop  }
0x4: {  	_ = 	snop  }
0x5: {  	_ = 	snop  }
0x6: {  	_ = 	snop  }
0x7: {  	_ = 	snop  }
__scs_overlays_trampoline_lowered:
0x8: {  	[smem:$0x3FAA] =	sst s0  }
0x9: {  	[smem:$0x3FAB] =	sst s1  }
0xa: {  	[smem:$0x3FAC] =	sst s2  }
0xb: {  	[smem:$0x3FAD] =	sst s3  }
0xc: {  	[smem:$0x3FAE] =	sst s4  }
0xd: {  	[smem:$0x3FAF] =	sst s5  }
0xe: {  	[smem:$0x3FB0] =	sst s6  }
0xf: {  	[smem:$0x3FB1] =	sst s7  }
0x10: {  	[smem:$0x3FB2] =	sst s8  }
0x11: {  	[smem:$0x3FB3] =	sst s9;
	s0 =	simm.s32 @!p0 $0x0  }
0x12: {  	s1 =	sld [smem:$0x3F99];
	s0 =	simm.s32 @p0 $0x1  }
0x13: {  	[smem:$0x3FB4] =	sst s0;
	s0 =	simm.s32 @!p1 $0x0  }
0x14: {  	s2 =	sld [smem:$0x3F98];
	s0 =	simm.s32 @p1 $0x1  }
0x15: {  	[smem:$0x3FB5] =	sst s0;
	s0 =	simm.s32 @!p2 $0x0  }
0x16: {  	s3 =	sld [smem:$0x3FDB];
	s0 =	simm.s32 @p2 $0x1  }
0x17: {  	s4 =	simm.s32 $0x1BF5;
	[smem:$0x3FB7] =	sst s0  }
0x18: {  	s0 =	sld [smem:$0x3F9A];
	_ =	swait.ge [sflag:s4], $0x0  }
0x19: {  	s7 =	sld [smem:$0x3F9B]  }
0x1a: {  	s8 =	sadd.s32 $0xFFFFE003, lr  }
0x1b: {  	s9 =	sadd.s32 $0xFFFFFEF7, lr;
	s5 =	simm.s32 $0xFFFFFFFF;
	p2 =	slt.u32 s8, $0xFFFFF086  }
0x1c: {  	p1 =	slt.u32 s9, $0xF7A;
	s5 =	simm.s32 @!p2 $0x0  }
0x1d: {  	s5 =	simm.s32 @p1 $0x1;
	p0 =	seq.s32 s7, s2  }
0x1e: {  	s7 =	smul.u32 @!p0 $0xF7A, s2;
	p2 =	seq.s32 @!p0 s5, $0x0  }
0x1f: {  	s9 =	smul.u32 $0xF7A, s1;
	s8 =	simm.s32 @!p0 $0x1BF5;
	p2 =	por !p2, p0  }
0x20: {  	[sflag:s8] =	ssyncset.s32 @!p0 $0xFFFFF086;
	s6 =	sadd.s32 @!p0 s3, s7;
	s7 =	simm.s32 @!p0 $0x108  }
0x21: {  	s3 =	sadd.s32 s3, s9;
	s6 =	sadd.s32 @!p0 $0x88, s6;
	s7 =	simm.s32 @p2 $0x1082  }
0x22: {  	[simem:s7], [sflag:s8] =	dma.local @!p0 [hbm:s6], $0xF7A  }
0x23: {  	s9 =	sor.u32 $0xD0000000, s2;
	s6 =	simm.s32 $0x108;
	_ =	swait.ge @!p0 [sflag:s8], $0x0  }
0x24: {  	s3 =	sadd.s32 $0x88, s3;
	s6 =	simm.s32 @!p1 $0x1082;
	[sflag:s4] =	ssyncset.s32 $0xFFFFF086  }
0x25: {  	[simem:s6], [sflag:s4] =	dma.local [hbm:s3], $0xF7A  }
0x26: {  	[smem:$0x3F9B] =	sst s1;
	(tag) =	ssettag s2;
	_ =	strace s9  }
0x27: {  	s1 =	sld [smem:$0x3FAB]  }
0x28: {  	s2 =	sld [smem:$0x3FAC]  }
0x29: {  	s4 =	sld [smem:$0x3FAE]  }
0x2a: {  	p0 =	seq.s32 s5, $0x0;
	s5 =	sld [smem:$0x3FAF]  }
0x2b: {  	s6 =	sld [smem:$0x3FB0]  }
0x2c: {  	s7 =	sld [smem:$0x3FB1]  }
0x2d: {  	s3 =	simm.s32 $0x108;
	s8 =	sld [smem:$0x3FB2]  }
0x2e: {  	s3 =	simm.s32 @!p0 $0x1082;
	s9 =	sld [smem:$0x3FB3]  }
0x2f: {  	lr =	sadd.s32 s0, s3;
	s0 =	sld [smem:$0x3FAA]  }
0x30: {  	s3 =	sld [smem:$0x3FAD]  }
0x31: {  	[smem:$0x3FB6] =	sst s10  }
0x32: {  	s10 =	sld [smem:$0x3FB4];
	_ =	sdelay $0x3  }
0x33: {  	p0 =	seq.s32 s10, $0x1;
	s10 =	sld [smem:$0x3FB6];
	_ =	sdelay $0x3  }
0x34: {  	[smem:$0x3FB6] =	sst s10  }
0x35: {  	s10 =	sld [smem:$0x3FB5];
	_ =	sdelay $0x3  }
0x36: {  	p1 =	seq.s32 s10, $0x1;
	s10 =	sld [smem:$0x3FB6];
	_ =	sdelay $0x3  }
0x37: {  	[smem:$0x3FB6] =	sst s10  }
0x38: {  	s10 =	sld [smem:$0x3FB7]  }
0x39: {  	_ = 	snop;
	(pc) =	sbr.ind lr, $3  }
0x3a: {  	_ = 	snop  }
0x3b: {  	_ = 	snop  }
0x3c: {  	p2 =	seq.s32 s10, $0x1;
	s10 =	sld [smem:$0x3FB6]  }
0x3d: {  	_ =	shalt  }
0x3e: {  	_ =	shalt  }
0x3f: {  	_ =	shalt  }
0x40: {  	_ =	shalt  }
0x41: {  	_ =	shalt  }
0x42: {  	_ =	shalt  }
0x43: {  	_ =	shalt  }
0x44: {  	_ =	shalt  }
0x45: {  	_ =	shalt  }
0x46: {  	_ =	shalt  }
0x47: {  	_ =	shalt  }
0x48: {  	_ =	shalt  }
0x49: {  	_ =	shalt  }
0x4a: {  	_ =	shalt  }
0x4b: {  	_ =	shalt  }
0x4c: {  	_ =	shalt  }
0x4d: {  	_ =	shalt  }
0x4e: {  	_ =	shalt  }
0x4f: {  	_ =	shalt  }
0x50: {  	_ =	shalt  }
0x51: {  	_ =	shalt  }
0x52: {  	_ =	shalt  }
0x53: {  	_ =	shalt  }
0x54: {  	_ =	shalt  }
0x55: {  	_ =	shalt  }
0x56: {  	_ =	shalt  }
0x57: {  	_ =	shalt  }
0x58: {  	_ =	shalt  }
0x59: {  	_ =	shalt  }
0x5a: {  	_ =	shalt  }
0x5b: {  	_ =	shalt  }
0x5c: {  	_ =	shalt  }
0x5d: {  	_ =	shalt  }
0x5e: {  	_ =	shalt  }
0x5f: {  	_ =	shalt  }
0x60: {  	_ =	shalt  }
0x61: {  	_ =	shalt  }
0x62: {  	_ =	shalt  }
0x63: {  	_ =	shalt  }
0x64: {  	_ =	shalt  }
0x65: {  	_ =	shalt  }
0x66: {  	_ =	shalt  }
0x67: {  	_ =	shalt  }
0x68: {  	_ =	shalt  }
0x69: {  	_ =	shalt  }
0x6a: {  	_ =	shalt  }
0x6b: {  	_ =	shalt  }
0x6c: {  	_ =	shalt  }
0x6d: {  	_ =	shalt  }
0x6e: {  	_ =	shalt  }
0x6f: {  	_ =	shalt  }
0x70: {  	_ =	shalt  }
0x71: {  	_ =	shalt  }
0x72: {  	_ =	shalt  }
0x73: {  	_ =	shalt  }
0x74: {  	_ =	shalt  }
0x75: {  	_ =	shalt  }
0x76: {  	_ =	shalt  }
0x77: {  	_ =	shalt  }
0x78: {  	_ =	shalt  }
0x79: {  	_ =	shalt  }
0x7a: {  	_ =	shalt  }
0x7b: {  	_ =	shalt  }
0x7c: {  	_ =	shalt  }
0x7d: {  	_ =	shalt  }
0x7e: {  	_ =	shalt  }
0x7f: {  	_ =	shalt  }
0x80: {  	_ =	shalt  }
0x81: {  	_ =	shalt  }
0x82: {  	_ =	shalt  }
0x83: {  	_ =	shalt  }
0x84: {  	_ =	shalt  }
0x85: {  	_ =	shalt  }
0x86: {  	_ =	shalt  }
0x87: {  	_ =	shalt  }
.Lfunc_end0:
.L_simem_size_0:
called_computation_lowered:
.L_overlay_start_0:
0x88: {  	s2 =	sld [smem:$0x3FD9]  }
0x89: {  	s3 =	sld [smem:$0x3FFE];
	_ =	sdelay $0x1  }
0x8a: {  	s1 =	srdreg.scid  }
0x8b: {  	s0 =	sand.u32 $0x1, s1  }
0x8c: {  	s17 =	sshll.u32 s0, $0xA;
	s2 =	sadd.s32 s3, s2  }
0x8d: {  	s2 =	sadd.s32 s2, s17  }
0x8e: {  	[smem:$0x3FC2] =	sst s2  }
0x8f: {  	_ = 	snop  }
0x90: {  	s2 =	sld [smem:$0x3FC9]  }
0x91: {  	s18 =	sld [smem:$0x3FD0];
	(tm) =	ssettm $0x1  }
0x92: {  	s4 =	sld [smem:$0x3FFB];
	_ =	sdelay $0x3  }
0x93: {  	_ =	strace s4  }
0x94: {  	s4 =	sld [smem:$0x3FFC];
	_ =	sdelay $0x3  }
0x95: {  	_ =	strace s4  }
0x96: {  	s4 =	sld [smem:$0x3FFD];
	_ =	sdelay $0x3  }
0x97: {  	_ =	strace s4  }
0x98: {  	_ =	strace $0x8FFFFFFF  }
0x99: {  	s19 =	sld [smem:$0x3FDB];
	_ =	sdelay $0x1  }
0x9a: {  	s5 =	simm.s32 $_scs_section_size  }
0x9b: {  	s6 =	simm.s32 $_size__tile_overlayer_lowered;
	s7 =	simm.s32 $_tile_overlayer_lowered  }
0x9c: {  	s22 =	simm.s32 $0x1BFF;
	s21 =	sshll.u32 s7, $0x1;
	s4 =	sadd.s32 s5, s19  }
0x9d: {  	s8 =	simm.s32 $0x0;
	s20 =	sshll.u32 s6, $0x1;
	s6 =	sadd.s32 s21, s4  }
0x9e: {  	[timem:s8], [sflag:s22] =	dma.local [hbm:s6], s20  }
0x9f: {  	_ =	swait.ge [sflag:s22], s20  }
0xa0: {  	s5 =	ssub.s32 $0x0, s20;
	[sflag:s22] =	ssyncset.done $0x0  }
0xa1: {  	[sflag:s22] =	ssyncadd.s32 s5;
	_ =	sdelay $0x1  }
0xa2: {  	s23 =	simm.s32 $0x1B8B  }
0xa3: {  	_ =	swait.ge [sflag:s23], $0x1  }
0xa4: {  	[sflag:s23] =	ssyncset.done $0x0  }
0xa5: {  	s25 =	simm.s32 $0x1B8E;
	s24 =	sld [smem:$0x3FFE];
	[sflag:s23] =	ssyncadd.s32 $0xFFFFFFFF  }
0xa6: {  	s26 =	simm.s32 $execute0_lowered;
	[smem:$0x3FD2] =	sst s25  }
0xa7: {  	s6 =	sshll.u32 s26, $0x1;
	_ =	strace $0x80000046;
	[dreg:$0x1] =	wrdreg $0xFFFFFFFF  }
0xa8: {  	s28 =	simm.s32 $_size_execute0_lowered;
	s4 =	sadd.s32 s4, s6;
	[dreg:$0x0] =	wrdreg $0x0  }
0xa9: {  	s6 =	sshll.u32 s28, $0x1;
	[dreg:$0x2] =	wrdreg s4  }
0xaa: {  	[dreg:$0x3] =	wrdreg s6  }
0xab: {  	[dreg:$0x4] =	wrdreg $0xC0  }
0xac: {  	_ =	task [dreg:s8], $0x5FFFF  }
0xad: {  	[dreg:$0x1] =	wrdreg $0xFFFFFFFF  }
0xae: {  	[dreg:$0x0] =	wrdreg $0x60  }
0xaf: {  	[dreg:$0x2] =	wrdreg s18  }
0xb0: {  	[dreg:$0x3] =	wrdreg s24  }
0xb1: {  	[dreg:$0x4] =	wrdreg s2  }
0xb2: {  	[dreg:$0x5] =	wrdreg $0x9  }
0xb3: {  	_ =	task.clear_ibuf [dreg:s8], $0x6FFFF;
	_ =	strace $0x90000046  }
0xb4: {  	s29 =	simm.s32 $0x9;
	_ =	strace $0x80000048  }
0xb5: {  	_ =	swait.ge [sflag:s29], $0x1  }
0xb6: {  	[sflag:s29] =	ssyncadd.s32 $0xFFFFFFFF  }
0xb7: {  	_ =	strace $0x90000048  }
0xb8: {  	_ =	sfence  }
0xb9: {  	s30 =	sld [smem:$0x0];
	_ =	sdelay $0x2  }
0xba: {  	s31 =	sshll.u32 s1, $0xD;
	s1 =	sshrl.u32 s1, $0x2  }
0xbb: {  	s3 =	sand.u32 $0x4000, s31;
	s1 =	sadd.s32 s1, s30  }
0xbc: {  	s0 =	sor.u32 s3, s0;
	s1 =	sshll.u32 s1, $0x11  }
0xbd: {  	s0 =	sor.u32 s1, s0  }
0xbe: {  	s0 =	sadd.s32 $0x8F2B, s0  }
0xbf: {  	[sflag:s0] =	ssyncadd.remote.s32 $0x1  }
0xc0: {  	_ =	sfence.sel $0xFFFF  }
0xc1: {  	[dreg:$0x0] =	wrdreg $0xFFFFFFFF;
	(pc) =	sbr.abs _section_cstart, $3  }
0xc2: {  	[dreg:$0x1] =	wrdreg $0xFFFFFFFF  }
0xc3: {  	_ =	task.clear_ibuf [dreg:s8], $0x2FFFF;
	_ =	strace $0x9FFFFFFF  }
0xc4: {  	(tm) =	ssettm $0x7FFFFFFF  }
0xc5: {  	_ =	shalt  }
tec
execute0_lowered:
.L_overlay_start_1:
0x0: {  	(tag) =	ssettag $0x1  }
0x1: {  	s0 =	rddreg [dreg:$0x1]  }
0x2: {  	s2 =	rddreg [dreg:$0x2];
	s4 =	simm.s32 $0x0;
	s1 =	srdreg.scid  }
0x3: {  	s3 =	stileid.u32;
	s28 =	simm.s32 $0x3980;
	s29 =	simm.s32 $0x4180  }
0x4: {  	s30 =	simm.s32 $0x4980;
	s31 =	simm.s32 $0x5180;
	[smem:$0x7FF] =	sst s4  }
0x5: {  	s1 =	sand.u32 $0x1, s1;
	s3 =	sshll.u32 s3, $0x1;
	s5 =	sadd.s32 $0x1A00, s0  }
0x6: {  	s6 =	sadd.s32 $0xC1E00, s0;
	_ =	strace $0x80000047;
	s7 =	ssub.s32 $0x2, s1  }
0x7: {  	s1 =	sor.u32 s1, s3;
	s3 =	sadd.s32 $0x1E00, s0;
	s8 =	sshrl.u32 s7, $0x1  }
0x8: {  	s10 =	sshll.u32 s1, $0x8;
	s9 =	smul.u32 $0x6000, s1;
	s23 =	sshll.u32 s1, $0x1  }
0x9: {  	s25 =	sshllo.u32 s1, $0x1;
	p0 =	sne.s32 s1, $0x0;
	s0 =	ssub.s32 s7, s8  }
0xa: {  	s26 =	sor.u32 $0x10, s10;
	s11 =	sor.u32 $0x20, s10;
	s12 =	sor.u32 $0x30, s10  }
0xb: {  	s13 =	sor.u32 $0x40, s10;
	s15 =	sor.u32 $0x50, s10;
	s19 =	sor.u32 $0x60, s10  }
0xc: {  	v0 =	vlaneseq.u32;
	s22 =	sor.u32 $0x70, s10;
	s7 =	sadd.s32 $0x100, s2;
	s8 =	sadd.s32 $0x200, s2  }
0xd: {  	vm0 =	vmmov $0xffff;
	v20 =	vand.u32 $0x7, v0;
	v21 =	vshrl.u32 v0, $0x3;
	s17 =	sshrl.u32 s11, $0x3;
	s18 =	sshrl.u32 s13, $0x3;
	s9 =	sadd.s32 s3, s9  }
0xe: {  	v22 =	vor.u32 $0x8, v0;
	v6 =	vor.u32 s11, v0;
	v14 =	vor.u32 s22, v0;
	s22 =	simm.s32 $0x1180;
	s11 =	simm.s32 $0x1;
	s14 =	smul.u32 $0x300, s17  }
0xf: {  	v21 =	vmul.u32 $0x8, v21;
	v1 =	vor.u32 s10, v0;
	v7 =	vor.u32 s12, v0;
	s12 =	simm.s32 $0x0;
	s16 =	smul.u32 $0x300, s18;
	s17 =	sshrl.u32 s19, $0x3  }
0x10: {  	v2 =	vmov s10;
	v19 =	vmov s23;
	v13 =	vor.u32 s19, v0;
	s18 =	smul.u32 $0x30000, s1;
	s19 =	simm.s32 $0x800;
	s1 =	simm.s32 $0x6980  }
0x11: {  	v15 =	vmov s25;
	v1 =	vand.u32 $0x70F, v1;
	v4 =	vor.u32 s26, v0;
	s17 =	smul.u32 $0x300, s17;
	s10 =	sadd.s32 s3, s14;
	s20 =	sadd.s32 s3, s16  }
0x12: {  	v10 =	vor.u32 s13, v0;
	v12 =	vor.u32 s15, v0;
	v19 =	vbroadcast v19, $0x0;
	s21 =	sshrl.u32 s18, $0x3;
	s18 =	simm.s32 $0x2;
	[dreg:$0x4] =	wrdreg s20  }
.Ltmp0:
0x13: {  	v3 =	vor.u32 $0x80, v1;
	v4 =	vand.u32 $0x71F, v4;
	v6 =	vand.u32 $0x72F, v6;
	s24 =	sadd.s32 s3, s17;
	s3 =	sadd.s32 s3, s21;
	(pc) =	sbr.rel .LBB2_1-.Ltmp0, $4  }
0x14: {  	v7 =	vand.u32 $0x73F, v7;
	v10 =	vand.u32 $0x74F, v10;
	v12 =	vand.u32 $0x75F, v12;
	s17 =	smax.u32 s0, $0x1;
	s20 =	simm.s32 $0x880;
	s21 =	simm.s32 $0x900  }
0x15: {  	v13 =	vand.u32 $0x76F, v13;
	v14 =	vand.u32 $0x77F, v14;
	v5 =	vor.u32 $0x80, v4;
	s0 =	simm.s32 $0x5980;
	[dreg:$0x5] =	wrdreg s24;
	s13 =	sadd.s32 $0x3000, s3  }
0x16: {  	v8 =	vor.u32 $0x80, v6;
	v9 =	vor.u32 $0x80, v7;
	v11 =	vor.u32 $0x80, v10;
	s14 =	sadd.s32 $0x3C00, s3;
	s26 =	sadd.s32 $0x4800, s3;
	s16 =	sadd.s32 $0x5400, s3  }
0x17: {  	v16 =	vor.u32 $0x80, v12;
	v17 =	vor.u32 $0x80, v13;
	v18 =	vor.u32 $0x80, v14;
	s3 =	simm.s32 $0x6180;
	[dreg:$0x6] =	wrdreg s26;
	s26 =	simm.s32 $0x3180  }
.LBB2_7:
0x18: {  	s12 =	sadd.s32 $0x1, s12  }
0x19: {  	p1 =	sne.s32 s12, s17  }
.Ltmp1:
0x1a: {  	_ = 	snop;
	(pc) =	sbr.rel @!p1 .LBB2_8-.Ltmp1, $1  }
0x1b: {  	_ =	sdelay $0x3  }
.LBB2_1:
0x1c: {  	s15 =	rddreg [dreg:$0x0]  }
0x1d: {  	[tilespmem:s4], [sflag:$0x2] =	stream.linear.gather [hbm4b:s15+s4], $0x800, $0x38;
	[tilespmem:$0x7180] =	vst v63  }
0x1e: {  	_ =	swait.ge [sflag:s18], $0x800  }
0x1f: {  	[sflag:s18] =	ssyncset.done $0x0  }
0x20: {  	[sflag:s18] =	ssyncadd.s32 $0xFFFFF800  }
0x21: {  	[tilespmem:s19], [sflag:$0x2] =	stream.linear.gather [hbm4b:s5+s4], $0x80, $0x38;
	[tilespmem:$0x7180] =	vst v63  }
0x22: {  	_ =	swait.ge [sflag:s18], $0x80  }
0x23: {  	[sflag:s18] =	ssyncset.done $0x0  }
0x24: {  	[sflag:s18] =	ssyncadd.s32 $0xFFFFFF80  }
0x25: {  	[tilespmem:$0x880] =	vst v1  }
0x26: {  	[tilespmem:$0x900] =	vst v3  }
0x27: {  	[tilespmem:$0x890] =	vst v4  }
0x28: {  	[tilespmem:$0x910] =	vst v5  }
0x29: {  	[tilespmem:$0x8A0] =	vst v6  }
0x2a: {  	[tilespmem:$0x920] =	vst v8  }
0x2b: {  	[tilespmem:$0x8B0] =	vst v7  }
0x2c: {  	[tilespmem:$0x930] =	vst v9  }
0x2d: {  	[tilespmem:$0x8C0] =	vst v10  }
0x2e: {  	[tilespmem:$0x940] =	vst v11  }
0x2f: {  	[tilespmem:$0x8D0] =	vst v12  }
0x30: {  	[tilespmem:$0x950] =	vst v16  }
0x31: {  	[tilespmem:$0x8E0] =	vst v13  }
0x32: {  	[tilespmem:$0x960] =	vst v17  }
0x33: {  	[tilespmem:$0x8F0] =	vst v14  }
0x34: {  	[tilespmem:$0x970] =	vst v18  }
0x35: {  	v23 =	vld [tilespmem:s4+$0x0];
	_ =	sdelay $0x4  }
0x36: {  	v24 =	vshra.s32 v23, $0x4  }
0x37: {  	v23 =	vand.u32 $0x7FF, v23;
	v24 =	vand.u32 $0xFFFFFF80, v24  }
0x38: {  	v24 =	vadd.s32 v23, v24  }
0x39: {  	v25 =	vsub.s32 v24, v2  }
0x3a: {  	v26 =	vor.u32 v23, v25;
	v27 =	vand.u32 $0xFFFFFF80, v25  }
0x3b: {  	vm1 =	vlt.u32 v23, $0x80;
	vm2 =	vlt.u32 v26, $0x80;
	vm3 =	veq.s32 v27, $0x80  }
0x3c: {  	vm3 =	vmand vm1, vm3;
	v23 =	vnsel vm2, $0x0, v25;
	v25 =	vadd.s32 $0xFFFFFF80, v25  }
0x3d: {  	v25 =	vnsel vm3, $0x0, v25;
	_ =	sdelay $0x1  }
0x3e: {  	s23 =	simm.s32 $0x980;
	v24 =	vnsel vm1, $0x0, v24  }
0x3f: {  	v63 =	vor.u32 s4, v0;
	[tilespmem:s23+$0x0] =	vst v24  }
0x40: {  	[tilespmem:v23+s20+$0x0] =	vst.idx.msk vm2, v63  }
0x41: {  	s15 =	simm.s32 $0x10;
	[tilespmem:v25+s21+$0x0] =	vst.idx.msk vm3, v63  }
0x42: {  	s24 =	simm.s32 $0x20;
	s25 =	simm.s32 $0x10;
	v23 =	vld [tilespmem:s15+$0x0]  }
.LBB2_2:
0x43: {  	p1 =	sne.s32 s24, $0x7F0;
	_ =	sdelay $0x3  }
0x44: {  	v24 =	vshra.s32 v23, $0x4  }
0x45: {  	v23 =	vand.u32 $0x7FF, v23;
	v24 =	vand.u32 $0xFFFFFF80, v24  }
0x46: {  	v24 =	vadd.s32 v23, v24  }
0x47: {  	v25 =	vsub.s32 v24, v2  }
0x48: {  	v26 =	vor.u32 v23, v25;
	v27 =	vand.u32 $0xFFFFFF80, v25  }
0x49: {  	vm1 =	vlt.u32 v23, $0x80;
	vm2 =	vlt.u32 v26, $0x80;
	vm3 =	veq.s32 v27, $0x80  }
0x4a: {  	vm3 =	vmand vm1, vm3;
	v23 =	vnsel vm2, $0x0, v25;
	v25 =	vadd.s32 $0xFFFFFF80, v25  }
0x4b: {  	v25 =	vnsel vm3, $0x0, v25;
	_ =	sdelay $0x1  }
.Ltmp2:
0x4c: {  	s23 =	sadd.s32 $0x10, s23;
	v24 =	vnsel vm1, $0x0, v24;
	(pc) =	sbr.rel @p1 .LBB2_2-.Ltmp2, $4  }
0x4d: {  	[tilespmem:s23+$0x0] =	vst v24;
	v24 =	vor.u32 s15, v0;
	s15 =	smov.u32 s24  }
0x4e: {  	[tilespmem:v23+s20+$0x0] =	vst.idx.msk vm2, v24  }
0x4f: {  	s25 =	sadd.s32 $0x10, s25;
	[tilespmem:v25+s21+$0x0] =	vst.idx.msk vm3, v24  }
0x50: {  	s24 =	sadd.s32 $0x10, s24;
	v23 =	vld [tilespmem:s25+$0x0]  }
0x51: {  	_ =	sdelay $0x3  }
0x52: {  	v24 =	vshra.s32 v23, $0x4  }
0x53: {  	v23 =	vand.u32 $0x7FF, v23;
	v24 =	vand.u32 $0xFFFFFF80, v24  }
0x54: {  	v24 =	vadd.s32 v23, v24  }
0x55: {  	v25 =	vsub.s32 v24, v2  }
0x56: {  	v26 =	vor.u32 v23, v25;
	v27 =	vand.u32 $0xFFFFFF80, v25  }
0x57: {  	vm1 =	vlt.u32 v23, $0x80;
	vm2 =	vlt.u32 v26, $0x80;
	vm3 =	veq.s32 v27, $0x80  }
0x58: {  	vm3 =	vmand vm1, vm3;
	v23 =	vnsel vm2, $0x0, v25;
	v25 =	vadd.s32 $0xFFFFFF80, v25  }
0x59: {  	v25 =	vnsel vm3, $0x0, v25;
	_ =	sdelay $0x1  }
0x5a: {  	s23 =	sadd.s32 $0x10, s23;
	v24 =	vnsel vm1, $0x0, v24  }
0x5b: {  	v63 =	vor.u32 s15, v0;
	[tilespmem:s23+$0x0] =	vst v24  }
0x5c: {  	[tilespmem:v23+s20+$0x0] =	vst.idx.msk vm2, v63  }
0x5d: {  	s15 =	simm.s32 @!p0 $0x0;
	s23 =	simm.s32 @!p0 $0x980;
	[tilespmem:v25+s21+$0x0] =	vst.idx.msk vm3, v63  }
0x5e: {  	[hbm4b:s6+s15] =	stream.linear.scatter @!p0 [tilespmem:s23], [sflag:$0x2], $0x800, $0x38;
	[tilespmem:$0x7180] =	vst v63  }
0x5f: {  	s15 =	simm.s32 @!p0 $0x2  }
0x60: {  	_ =	swait.ge @!p0 [sflag:s15], $0x800  }
0x61: {  	[sflag:s15] =	ssyncset.done @!p0 $0x0  }
0x62: {  	[sflag:s15] =	ssyncadd.s32 @!p0 $0xFFFFF800  }
0x63: {  	v23 =	vld.idx.msk [tilespmem:v19+s19+$0x0], $0xffff;
	_ =	sdelay $0x4  }
0x64: {  	v23 =	vxor.u32 $0x80000000, v23  }
0x65: {  	(xrf0) =	vmax.scan.msk.u32 $0xffff, v23;
	_ =	sdelay $0x5  }
0x66: {  	v23, _, _ =	vpop (xrf0)  }
0x67: {  	(v2sf) =	vpush v23, $0xF;
	_ =	sdelay $0xe  }
0x68: {  	s25 =	spop (v2sf)  }
0x69: {  	s23 =	sxor.u32 $0x80000000, s25  }
0x6a: {  	p1 =	slt.s32 s23, $0x1  }
0x6b: {  	v23 =	vld @!p1 [tilespmem:$0x880];
	_ =	sdelay $0x4  }
0x6c: {  	v24 =	vshrl.u32 @!p1 v23, $0x3  }
0x6d: {  	v24 =	vmul.u32 @!p1 $0x30, v24  }
0x6e: {  	v25 =	vlaneseq.u32 @!p1;
	v23 =	vand.u32 @!p1 $0x7, v23  }
0x6f: {  	v26 =	vshrl.u32 @!p1 v25, $0x3;
	v23 =	vor.u32 @!p1 v23, v24;
	v24 =	vand.u32 @!p1 $0x7, v25  }
0x70: {  	v26 =	vmul.u32 @!p1 $0x8, v26;
	v27 =	vperm.xlane @!p1 v23, v24;
	_ =	sdelay $0x1  }
0x71: {  	v27 =	vadd.s32 @!p1 v26, v27;
	_ =	sdelay $0x2  }
0x72: {  	v25 =	vor.u32 @!p1 $0x8, v25  }
0x73: {  	vm1 =	vmmov @!p1 $0xffff;
	s15 =	simm.s32 @!p1 $0x0;
	s24 =	simm.s32 @!p1 $0x1180;
	v23 =	vperm.xlane @!p1 v23, v25  }
0x74: {  	[tilespmem:s24], [sflag:$0x1] =	stream.indirect_vreg.gather @!p1 [hbm4b:s2+s15], $0x80, v27, vm1, $0xb8;
	[tilespmem:$0x7180] =	vst v63  }
0x75: {  	s25 =	simm.s32 @!p1 $0x1980;
	v23 =	vadd.s32 @!p1 v26, v23  }
0x76: {  	[tilespmem:s25], [sflag:$0x1] =	stream.indirect_vreg.gather @!p1 [hbm4b:s7+s15], $0x80, v27, vm1, $0xb8;
	[tilespmem:$0x7180] =	vst v63  }
0x77: {  	s25 =	simm.s32 @!p1 $0x2180  }
0x78: {  	[tilespmem:s25], [sflag:$0x1] =	stream.indirect_vreg.gather @!p1 [hbm4b:s8+s15], $0x80, v27, vm1, $0xb8;
	[tilespmem:$0x7180] =	vst v63  }
0x79: {  	s25 =	simm.s32 @!p1 $0x2980  }
0x7a: {  	[tilespmem:s25], [sflag:$0x1] =	stream.indirect_vreg.gather @!p1 [hbm4b:s2+s15], $0x80, v23, vm1, $0xb8;
	[tilespmem:$0x7180] =	vst v63  }
0x7b: {  	s25 =	simm.s32 @!p1 $0x3180  }
0x7c: {  	[tilespmem:s25], [sflag:$0x1] =	stream.indirect_vreg.gather @!p1 [hbm4b:s7+s15], $0x80, v23, vm1, $0xb8;
	[tilespmem:$0x7180] =	vst v63  }
0x7d: {  	s25 =	simm.s32 @!p1 $0x3980  }
0x7e: {  	[tilespmem:s25], [sflag:$0x1] =	stream.indirect_vreg.gather @!p1 [hbm4b:s8+s15], $0x80, v23, vm1, $0xb8;
	[tilespmem:$0x7180] =	vst v63  }
0x7f: {  	v23 =	vld @!p1 [tilespmem:$0x890];
	_ =	sdelay $0x4  }
0x80: {  	v27 =	vshrl.u32 @!p1 v23, $0x3  }
0x81: {  	v27 =	vmul.u32 @!p1 $0x30, v27  }
0x82: {  	v23 =	vand.u32 @!p1 $0x7, v23  }
0x83: {  	v23 =	vor.u32 @!p1 v23, v27  }
0x84: {  	v24 =	vperm.xlane @!p1 v23, v24;
	_ =	sdelay $0x1  }
0x85: {  	v24 =	vadd.s32 @!p1 v26, v24;
	_ =	sdelay $0x3  }
0x86: {  	s25 =	simm.s32 @!p1 $0x4180;
	v23 =	vperm.xlane @!p1 v23, v25  }
0x87: {  	[tilespmem:s25], [sflag:$0x1] =	stream.indirect_vreg.gather @!p1 [hbm4b:s2+s15], $0x80, v24, vm1, $0xb8;
	[tilespmem:$0x7180] =	vst v63  }
0x88: {  	v23 =	vadd.s32 @!p1 v26, v23;
	s25 =	simm.s32 @!p1 $0x4980  }
0x89: {  	[tilespmem:s25], [sflag:$0x1] =	stream.indirect_vreg.gather @!p1 [hbm4b:s7+s15], $0x80, v24, vm1, $0xb8;
	[tilespmem:$0x7180] =	vst v63  }
0x8a: {  	s25 =	simm.s32 @!p1 $0x5180  }
0x8b: {  	[tilespmem:s25], [sflag:$0x1] =	stream.indirect_vreg.gather @!p1 [hbm4b:s8+s15], $0x80, v24, vm1, $0xb8;
	[tilespmem:$0x7180] =	vst v63  }
0x8c: {  	s25 =	simm.s32 @!p1 $0x5980  }
0x8d: {  	[tilespmem:s25], [sflag:$0x1] =	stream.indirect_vreg.gather @!p1 [hbm4b:s2+s15], $0x80, v23, vm1, $0xb8;
	[tilespmem:$0x7180] =	vst v63  }
0x8e: {  	s25 =	simm.s32 @!p1 $0x6180  }
0x8f: {  	[tilespmem:s25], [sflag:$0x1] =	stream.indirect_vreg.gather @!p1 [hbm4b:s7+s15], $0x80, v23, vm1, $0xb8;
	[tilespmem:$0x7180] =	vst v63  }
0x90: {  	s25 =	simm.s32 @!p1 $0x6980  }
0x91: {  	[tilespmem:s25], [sflag:$0x1] =	stream.indirect_vreg.gather @!p1 [hbm4b:s8+s15], $0x80, v23, vm1, $0xb8;
	[tilespmem:$0x7180] =	vst v63  }
0x92: {  	s25 =	simm.s32 @!p1 $0x1  }
0x93: {  	_ =	swait.ge @!p1 [sflag:s25], $0x6000  }
0x94: {  	[sflag:s25] =	ssyncset.done @!p1 $0x0  }
0x95: {  	[sflag:s25] =	ssyncadd.s32 @!p1 $0xFFFFA000  }
0x96: {  	[hbm4b:s9+s15] =	stream.linear.scatter @!p1 [tilespmem:s24], [sflag:$0x2], $0x6000, $0x38;
	[tilespmem:$0x7180] =	vst v63  }
0x97: {  	s15 =	simm.s32 @!p1 $0x2  }
0x98: {  	_ =	swait.ge @!p1 [sflag:s15], $0x6000  }
0x99: {  	p2 =	slt.u32 @!p1 s23, $0x21;
	[sflag:s15] =	ssyncset.done @!p1 $0x0  }
0x9a: {  	[sflag:s15] =	ssyncadd.s32 @!p1 $0xFFFFA000;
	p1 =	por p1, p2  }
0x9b: {  	v23 =	vld @!p1 [tilespmem:$0x8A0];
	_ =	sdelay $0x4  }
0x9c: {  	v24 =	vshrl.u32 @!p1 v23, $0x3  }
0x9d: {  	v24 =	vmul.u32 @!p1 $0x30, v24  }
0x9e: {  	v25 =	vlaneseq.u32 @!p1;
	v23 =	vand.u32 @!p1 $0x7, v23  }
0x9f: {  	v26 =	vshrl.u32 @!p1 v25, $0x3;
	v23 =	vor.u32 @!p1 v23, v24;
	v24 =	vand.u32 @!p1 $0x7, v25  }
0xa0: {  	v26 =	vmul.u32 @!p1 $0x8, v26;
	v27 =	vperm.xlane @!p1 v23, v24;
	_ =	sdelay $0x1  }
0xa1: {  	v27 =	vadd.s32 @!p1 v26, v27;
	_ =	sdelay $0x2  }
0xa2: {  	v25 =	vor.u32 @!p1 $0x8, v25  }
0xa3: {  	vm1 =	vmmov @!p1 $0xffff;
	s15 =	simm.s32 @!p1 $0x0;
	s24 =	simm.s32 @!p1 $0x1180;
	v23 =	vperm.xlane @!p1 v23, v25  }
0xa4: {  	[tilespmem:s24], [sflag:$0x1] =	stream.indirect_vreg.gather @!p1 [hbm4b:s2+s15], $0x80, v27, vm1, $0xb8;
	[tilespmem:$0x7180] =	vst v63  }
0xa5: {  	s25 =	simm.s32 @!p1 $0x1980;
	v23 =	vadd.s32 @!p1 v26, v23  }
0xa6: {  	[tilespmem:s25], [sflag:$0x1] =	stream.indirect_vreg.gather @!p1 [hbm4b:s7+s15], $0x80, v27, vm1, $0xb8;
	[tilespmem:$0x7180] =	vst v63  }
0xa7: {  	s25 =	simm.s32 @!p1 $0x2180  }
0xa8: {  	[tilespmem:s25], [sflag:$0x1] =	stream.indirect_vreg.gather @!p1 [hbm4b:s8+s15], $0x80, v27, vm1, $0xb8;
	[tilespmem:$0x7180] =	vst v63  }
0xa9: {  	s25 =	simm.s32 @!p1 $0x2980  }
0xaa: {  	[tilespmem:s25], [sflag:$0x1] =	stream.indirect_vreg.gather @!p1 [hbm4b:s2+s15], $0x80, v23, vm1, $0xb8;
	[tilespmem:$0x7180] =	vst v63  }
0xab: {  	s25 =	simm.s32 @!p1 $0x3180  }
0xac: {  	[tilespmem:s25], [sflag:$0x1] =	stream.indirect_vreg.gather @!p1 [hbm4b:s7+s15], $0x80, v23, vm1, $0xb8;
	[tilespmem:$0x7180] =	vst v63  }
0xad: {  	s25 =	simm.s32 @!p1 $0x3980  }
0xae: {  	[tilespmem:s25], [sflag:$0x1] =	stream.indirect_vreg.gather @!p1 [hbm4b:s8+s15], $0x80, v23, vm1, $0xb8;
	[tilespmem:$0x7180] =	vst v63  }
0xaf: {  	v23 =	vld @!p1 [tilespmem:$0x8B0];
	_ =	sdelay $0x4  }
0xb0: {  	v27 =	vshrl.u32 @!p1 v23, $0x3  }
0xb1: {  	v27 =	vmul.u32 @!p1 $0x30, v27  }
0xb2: {  	v23 =	vand.u32 @!p1 $0x7, v23  }
0xb3: {  	v23 =	vor.u32 @!p1 v23, v27  }
0xb4: {  	v24 =	vperm.xlane @!p1 v23, v24;
	_ =	sdelay $0x1  }
0xb5: {  	v24 =	vadd.s32 @!p1 v26, v24;
	_ =	sdelay $0x3  }
0xb6: {  	s25 =	simm.s32 @!p1 $0x4180;
	v23 =	vperm.xlane @!p1 v23, v25  }
0xb7: {  	[tilespmem:s25], [sflag:$0x1] =	stream.indirect_vreg.gather @!p1 [hbm4b:s2+s15], $0x80, v24, vm1, $0xb8;
	[tilespmem:$0x7180] =	vst v63  }
0xb8: {  	v23 =	vadd.s32 @!p1 v26, v23;
	s25 =	simm.s32 @!p1 $0x4980  }
0xb9: {  	[tilespmem:s25], [sflag:$0x1] =	stream.indirect_vreg.gather @!p1 [hbm4b:s7+s15], $0x80, v24, vm1, $0xb8;
	[tilespmem:$0x7180] =	vst v63  }
0xba: {  	s25 =	simm.s32 @!p1 $0x5180  }
0xbb: {  	[tilespmem:s25], [sflag:$0x1] =	stream.indirect_vreg.gather @!p1 [hbm4b:s8+s15], $0x80, v24, vm1, $0xb8;
	[tilespmem:$0x7180] =	vst v63  }
0xbc: {  	s25 =	simm.s32 @!p1 $0x5980  }
0xbd: {  	[tilespmem:s25], [sflag:$0x1] =	stream.indirect_vreg.gather @!p1 [hbm4b:s2+s15], $0x80, v23, vm1, $0xb8;
	[tilespmem:$0x7180] =	vst v63  }
0xbe: {  	s25 =	simm.s32 @!p1 $0x6180  }
0xbf: {  	[tilespmem:s25], [sflag:$0x1] =	stream.indirect_vreg.gather @!p1 [hbm4b:s7+s15], $0x80, v23, vm1, $0xb8;
	[tilespmem:$0x7180] =	vst v63  }
0xc0: {  	s25 =	simm.s32 @!p1 $0x6980  }
0xc1: {  	[tilespmem:s25], [sflag:$0x1] =	stream.indirect_vreg.gather @!p1 [hbm4b:s8+s15], $0x80, v23, vm1, $0xb8;
	[tilespmem:$0x7180] =	vst v63  }
0xc2: {  	s25 =	simm.s32 @!p1 $0x1  }
0xc3: {  	_ =	swait.ge @!p1 [sflag:s25], $0x6000  }
0xc4: {  	p2 =	slt.u32 @!p1 s23, $0x41;
	[sflag:s25] =	ssyncset.done @!p1 $0x0  }
0xc5: {  	p2 =	por p1, p2;
	[sflag:s25] =	ssyncadd.s32 @!p1 $0xFFFFA000  }
0xc6: {  	[hbm4b:s10+s15] =	stream.linear.scatter @!p1 [tilespmem:s24], [sflag:$0x2], $0x6000, $0x38;
	[tilespmem:$0x7180] =	vst v63  }
.Ltmp3:
0xc7: {  	_ = 	snop;
	(pc) =	sbr.rel @p2 .LBB2_5-.Ltmp3, $4  }
0xc8: {  	s15 =	simm.s32 @!p1 $0x2  }
0xc9: {  	_ =	swait.ge @!p1 [sflag:s15], $0x6000  }
0xca: {  	[sflag:s15] =	ssyncset.done @!p1 $0x0  }
0xcb: {  	[sflag:s15] =	ssyncadd.s32 @!p1 $0xFFFFA000  }
0xcc: {  	v23 =	vld [tilespmem:$0x8C0];
	_ =	sdelay $0x4  }
0xcd: {  	v24 =	vshrl.u32 v23, $0x3  }
0xce: {  	v24 =	vmul.u32 $0x30, v24  }
0xcf: {  	v23 =	vand.u32 $0x7, v23  }
0xd0: {  	v23 =	vor.u32 v23, v24  }
0xd1: {  	v24 =	vperm.xlane v23, v20;
	_ =	sdelay $0x1  }
0xd2: {  	v24 =	vadd.s32 v21, v24;
	_ =	sdelay $0x3  }
0xd3: {  	v23 =	vperm.xlane v23, v22  }
0xd4: {  	[tilespmem:s22], [sflag:$0x1] =	stream.indirect_vreg.gather [hbm4b:s2+s4], $0x80, v24, vm0, $0xb8;
	[tilespmem:$0x7180] =	vst v63  }
0xd5: {  	s15 =	simm.s32 $0x1980;
	v23 =	vadd.s32 v21, v23  }
0xd6: {  	[tilespmem:s15], [sflag:$0x1] =	stream.indirect_vreg.gather [hbm4b:s7+s4], $0x80, v24, vm0, $0xb8;
	[tilespmem:$0x7180] =	vst v63  }
0xd7: {  	s25 =	simm.s32 $0x2180  }
0xd8: {  	[tilespmem:s25], [sflag:$0x1] =	stream.indirect_vreg.gather [hbm4b:s8+s4], $0x80, v24, vm0, $0xb8;
	[tilespmem:$0x7180] =	vst v63  }
0xd9: {  	s24 =	simm.s32 $0x2980  }
0xda: {  	[tilespmem:s24], [sflag:$0x1] =	stream.indirect_vreg.gather [hbm4b:s2+s4], $0x80, v23, vm0, $0xb8;
	[tilespmem:$0x7180] =	vst v63  }
0xdb: {  	_ = 	snop  }
0xdc: {  	[tilespmem:s26], [sflag:$0x1] =	stream.indirect_vreg.gather [hbm4b:s7+s4], $0x80, v23, vm0, $0xb8;
	[tilespmem:$0x7180] =	vst v63  }
0xdd: {  	_ = 	snop  }
0xde: {  	[tilespmem:s28], [sflag:$0x1] =	stream.indirect_vreg.gather [hbm4b:s8+s4], $0x80, v23, vm0, $0xb8;
	[tilespmem:$0x7180] =	vst v63  }
0xdf: {  	v23 =	vld [tilespmem:$0x8D0];
	_ =	sdelay $0x4  }
0xe0: {  	v63 =	vshrl.u32 v23, $0x3  }
0xe1: {  	v24 =	vmul.u32 $0x30, v63  }
0xe2: {  	v23 =	vand.u32 $0x7, v23  }
0xe3: {  	v23 =	vor.u32 v23, v24  }
0xe4: {  	v24 =	vperm.xlane v23, v20;
	_ =	sdelay $0x1  }
0xe5: {  	v24 =	vadd.s32 v21, v24;
	_ =	sdelay $0x3  }
0xe6: {  	v23 =	vperm.xlane v23, v22  }
0xe7: {  	[tilespmem:s29], [sflag:$0x1] =	stream.indirect_vreg.gather [hbm4b:s2+s4], $0x80, v24, vm0, $0xb8;
	[tilespmem:$0x7180] =	vst v63  }
0xe8: {  	v23 =	vadd.s32 v21, v23  }
0xe9: {  	[tilespmem:s30], [sflag:$0x1] =	stream.indirect_vreg.gather [hbm4b:s7+s4], $0x80, v24, vm0, $0xb8;
	[tilespmem:$0x7180] =	vst v63  }
0xea: {  	_ = 	snop  }
0xeb: {  	[tilespmem:s31], [sflag:$0x1] =	stream.indirect_vreg.gather [hbm4b:s8+s4], $0x80, v24, vm0, $0xb8;
	[tilespmem:$0x7180] =	vst v63  }
0xec: {  	_ = 	snop  }
0xed: {  	[tilespmem:s0], [sflag:$0x1] =	stream.indirect_vreg.gather [hbm4b:s2+s4], $0x80, v23, vm0, $0xb8;
	[tilespmem:$0x7180] =	vst v63  }
0xee: {  	_ = 	snop  }
0xef: {  	[tilespmem:s3], [sflag:$0x1] =	stream.indirect_vreg.gather [hbm4b:s7+s4], $0x80, v23, vm0, $0xb8;
	[tilespmem:$0x7180] =	vst v63  }
0xf0: {  	_ = 	snop  }
0xf1: {  	[tilespmem:s1], [sflag:$0x1] =	stream.indirect_vreg.gather [hbm4b:s8+s4], $0x80, v23, vm0, $0xb8;
	[tilespmem:$0x7180] =	vst v63  }
0xf2: {  	_ =	swait.ge [sflag:s11], $0x6000  }
0xf3: {  	[sflag:s11] =	ssyncset.done $0x0  }
0xf4: {  	s25 =	rddreg [dreg:$0x4];
	[sflag:s11] =	ssyncadd.s32 $0xFFFFA000  }
0xf5: {  	[hbm4b:s25+s4] =	stream.linear.scatter [tilespmem:s22], [sflag:$0x2], $0x6000, $0x38;
	[tilespmem:$0x7180] =	vst v63  }
0xf6: {  	_ =	swait.ge [sflag:s18], $0x6000  }
0xf7: {  	[sflag:s18] =	ssyncset.done $0x0  }
0xf8: {  	p1 =	slt.u32 s23, $0x61;
	[sflag:s18] =	ssyncadd.s32 $0xFFFFA000  }
0xf9: {  	v23 =	vld @!p1 [tilespmem:$0x8E0];
	_ =	sdelay $0x4  }
0xfa: {  	v24 =	vshrl.u32 @!p1 v23, $0x3  }
0xfb: {  	v24 =	vmul.u32 @!p1 $0x30, v24  }
0xfc: {  	v25 =	vlaneseq.u32 @!p1;
	v23 =	vand.u32 @!p1 $0x7, v23  }
0xfd: {  	v26 =	vshrl.u32 @!p1 v25, $0x3;
	v23 =	vor.u32 @!p1 v23, v24;
	v24 =	vand.u32 @!p1 $0x7, v25  }
0xfe: {  	v26 =	vmul.u32 @!p1 $0x8, v26;
	v27 =	vperm.xlane @!p1 v23, v24;
	_ =	sdelay $0x1  }
0xff: {  	v27 =	vadd.s32 @!p1 v26, v27;
	_ =	sdelay $0x2  }
0x100: {  	v25 =	vor.u32 @!p1 $0x8, v25  }
0x101: {  	vm1 =	vmmov @!p1 $0xffff;
	s23 =	simm.s32 @!p1 $0x1180;
	s15 =	simm.s32 @!p1 $0x0;
	v23 =	vperm.xlane @!p1 v23, v25  }
0x102: {  	[tilespmem:s23], [sflag:$0x1] =	stream.indirect_vreg.gather @!p1 [hbm4b:s2+s15], $0x80, v27, vm1, $0xb8;
	[tilespmem:$0x7180] =	vst v63  }
0x103: {  	s24 =	simm.s32 @!p1 $0x1980;
	v23 =	vadd.s32 @!p1 v26, v23  }
0x104: {  	[tilespmem:s24], [sflag:$0x1] =	stream.indirect_vreg.gather @!p1 [hbm4b:s7+s15], $0x80, v27, vm1, $0xb8;
	[tilespmem:$0x7180] =	vst v63  }
0x105: {  	s24 =	simm.s32 @!p1 $0x2180  }
0x106: {  	[tilespmem:s24], [sflag:$0x1] =	stream.indirect_vreg.gather @!p1 [hbm4b:s8+s15], $0x80, v27, vm1, $0xb8;
	[tilespmem:$0x7180] =	vst v63  }
0x107: {  	s24 =	simm.s32 @!p1 $0x2980  }
0x108: {  	[tilespmem:s24], [sflag:$0x1] =	stream.indirect_vreg.gather @!p1 [hbm4b:s2+s15], $0x80, v23, vm1, $0xb8;
	[tilespmem:$0x7180] =	vst v63  }
0x109: {  	s24 =	simm.s32 @!p1 $0x3180  }
0x10a: {  	[tilespmem:s24], [sflag:$0x1] =	stream.indirect_vreg.gather @!p1 [hbm4b:s7+s15], $0x80, v23, vm1, $0xb8;
	[tilespmem:$0x7180] =	vst v63  }
0x10b: {  	s24 =	simm.s32 @!p1 $0x3980  }
0x10c: {  	[tilespmem:s24], [sflag:$0x1] =	stream.indirect_vreg.gather @!p1 [hbm4b:s8+s15], $0x80, v23, vm1, $0xb8;
	[tilespmem:$0x7180] =	vst v63  }
0x10d: {  	v23 =	vld @!p1 [tilespmem:$0x8F0];
	_ =	sdelay $0x4  }
0x10e: {  	v27 =	vshrl.u32 @!p1 v23, $0x3  }
0x10f: {  	v27 =	vmul.u32 @!p1 $0x30, v27  }
0x110: {  	v23 =	vand.u32 @!p1 $0x7, v23  }
0x111: {  	v23 =	vor.u32 @!p1 v23, v27  }
0x112: {  	v24 =	vperm.xlane @!p1 v23, v24;
	_ =	sdelay $0x1  }
0x113: {  	v24 =	vadd.s32 @!p1 v26, v24;
	_ =	sdelay $0x3  }
0x114: {  	s24 =	simm.s32 @!p1 $0x4180;
	v23 =	vperm.xlane @!p1 v23, v25  }
0x115: {  	[tilespmem:s24], [sflag:$0x1] =	stream.indirect_vreg.gather @!p1 [hbm4b:s2+s15], $0x80, v24, vm1, $0xb8;
	[tilespmem:$0x7180] =	vst v63  }
0x116: {  	v23 =	vadd.s32 @!p1 v26, v23;
	s24 =	simm.s32 @!p1 $0x4980  }
0x117: {  	[tilespmem:s24], [sflag:$0x1] =	stream.indirect_vreg.gather @!p1 [hbm4b:s7+s15], $0x80, v24, vm1, $0xb8;
	[tilespmem:$0x7180] =	vst v63  }
0x118: {  	s24 =	simm.s32 @!p1 $0x5180  }
0x119: {  	[tilespmem:s24], [sflag:$0x1] =	stream.indirect_vreg.gather @!p1 [hbm4b:s8+s15], $0x80, v24, vm1, $0xb8;
	[tilespmem:$0x7180] =	vst v63  }
0x11a: {  	s24 =	simm.s32 @!p1 $0x5980  }
0x11b: {  	[tilespmem:s24], [sflag:$0x1] =	stream.indirect_vreg.gather @!p1 [hbm4b:s2+s15], $0x80, v23, vm1, $0xb8;
	[tilespmem:$0x7180] =	vst v63  }
0x11c: {  	s24 =	simm.s32 @!p1 $0x6180  }
0x11d: {  	[tilespmem:s24], [sflag:$0x1] =	stream.indirect_vreg.gather @!p1 [hbm4b:s7+s15], $0x80, v23, vm1, $0xb8;
	[tilespmem:$0x7180] =	vst v63  }
0x11e: {  	s24 =	simm.s32 @!p1 $0x6980  }
0x11f: {  	[tilespmem:s24], [sflag:$0x1] =	stream.indirect_vreg.gather @!p1 [hbm4b:s8+s15], $0x80, v23, vm1, $0xb8;
	[tilespmem:$0x7180] =	vst v63  }
0x120: {  	s24 =	simm.s32 @!p1 $0x1  }
0x121: {  	_ =	swait.ge @!p1 [sflag:s24], $0x6000  }
0x122: {  	[sflag:s24] =	ssyncset.done @!p1 $0x0  }
0x123: {  	[sflag:s24] =	ssyncadd.s32 @!p1 $0xFFFFA000;
	s24 =	rddreg [dreg:$0x5]  }
0x124: {  	[hbm4b:s24+s15] =	stream.linear.scatter @!p1 [tilespmem:s23], [sflag:$0x2], $0x6000, $0x38;
	[tilespmem:$0x7180] =	vst v63  }
0x125: {  	s15 =	simm.s32 @!p1 $0x2  }
0x126: {  	_ =	swait.ge @!p1 [sflag:s15], $0x6000  }
0x127: {  	[sflag:s15] =	ssyncset.done @!p1 $0x0  }
0x128: {  	[sflag:s15] =	ssyncadd.s32 @!p1 $0xFFFFA000  }
.LBB2_5:
0x129: {  	_ =	sdelay $0x3  }
0x12a: {  	v23 =	vld.idx.msk [tilespmem:v15+s19+$0x0], $0xffff;
	_ =	sdelay $0x4  }
0x12b: {  	v23 =	vxor.u32 $0x80000000, v23  }
0x12c: {  	(xrf0) =	vmax.scan.msk.u32 $0xffff, v23;
	_ =	sdelay $0x5  }
0x12d: {  	v23, _, _ =	vpop (xrf0)  }
0x12e: {  	(v2sf) =	vpush v23, $0xF;
	_ =	sdelay $0xe  }
0x12f: {  	s15 =	spop (v2sf)  }
0x130: {  	s23 =	sxor.u32 $0x80000000, s15  }
0x131: {  	p1 =	slt.s32 s23, $0x1  }
0x132: {  	v23 =	vld @!p1 [tilespmem:$0x900];
	_ =	sdelay $0x4  }
0x133: {  	v24 =	vshrl.u32 @!p1 v23, $0x3  }
0x134: {  	v24 =	vmul.u32 @!p1 $0x30, v24  }
0x135: {  	v25 =	vlaneseq.u32 @!p1;
	v23 =	vand.u32 @!p1 $0x7, v23  }
0x136: {  	v26 =	vshrl.u32 @!p1 v25, $0x3;
	v23 =	vor.u32 @!p1 v23, v24;
	v24 =	vand.u32 @!p1 $0x7, v25  }
0x137: {  	v26 =	vmul.u32 @!p1 $0x8, v26;
	v27 =	vperm.xlane @!p1 v23, v24;
	_ =	sdelay $0x1  }
0x138: {  	v27 =	vadd.s32 @!p1 v26, v27;
	_ =	sdelay $0x2  }
0x139: {  	v25 =	vor.u32 @!p1 $0x8, v25  }
0x13a: {  	vm1 =	vmmov @!p1 $0xffff;
	s15 =	simm.s32 @!p1 $0x0;
	s24 =	simm.s32 @!p1 $0x1180;
	v23 =	vperm.xlane @!p1 v23, v25  }
0x13b: {  	[tilespmem:s24], [sflag:$0x1] =	stream.indirect_vreg.gather @!p1 [hbm4b:s2+s15], $0x80, v27, vm1, $0xb8;
	[tilespmem:$0x7180] =	vst v63  }
0x13c: {  	s25 =	simm.s32 @!p1 $0x1980;
	v23 =	vadd.s32 @!p1 v26, v23  }
0x13d: {  	[tilespmem:s25], [sflag:$0x1] =	stream.indirect_vreg.gather @!p1 [hbm4b:s7+s15], $0x80, v27, vm1, $0xb8;
	[tilespmem:$0x7180] =	vst v63  }
0x13e: {  	s25 =	simm.s32 @!p1 $0x2180  }
0x13f: {  	[tilespmem:s25], [sflag:$0x1] =	stream.indirect_vreg.gather @!p1 [hbm4b:s8+s15], $0x80, v27, vm1, $0xb8;
	[tilespmem:$0x7180] =	vst v63  }
0x140: {  	s25 =	simm.s32 @!p1 $0x2980  }
0x141: {  	[tilespmem:s25], [sflag:$0x1] =	stream.indirect_vreg.gather @!p1 [hbm4b:s2+s15], $0x80, v23, vm1, $0xb8;
	[tilespmem:$0x7180] =	vst v63  }
0x142: {  	s25 =	simm.s32 @!p1 $0x3180  }
0x143: {  	[tilespmem:s25], [sflag:$0x1] =	stream.indirect_vreg.gather @!p1 [hbm4b:s7+s15], $0x80, v23, vm1, $0xb8;
	[tilespmem:$0x7180] =	vst v63  }
0x144: {  	s25 =	simm.s32 @!p1 $0x3980  }
0x145: {  	[tilespmem:s25], [sflag:$0x1] =	stream.indirect_vreg.gather @!p1 [hbm4b:s8+s15], $0x80, v23, vm1, $0xb8;
	[tilespmem:$0x7180] =	vst v63  }
0x146: {  	v23 =	vld @!p1 [tilespmem:$0x910];
	_ =	sdelay $0x4  }
0x147: {  	v27 =	vshrl.u32 @!p1 v23, $0x3  }
0x148: {  	v27 =	vmul.u32 @!p1 $0x30, v27  }
0x149: {  	v23 =	vand.u32 @!p1 $0x7, v23  }
0x14a: {  	v23 =	vor.u32 @!p1 v23, v27  }
0x14b: {  	v24 =	vperm.xlane @!p1 v23, v24;
	_ =	sdelay $0x1  }
0x14c: {  	v24 =	vadd.s32 @!p1 v26, v24;
	_ =	sdelay $0x3  }
0x14d: {  	s25 =	simm.s32 @!p1 $0x4180;
	v23 =	vperm.xlane @!p1 v23, v25  }
0x14e: {  	[tilespmem:s25], [sflag:$0x1] =	stream.indirect_vreg.gather @!p1 [hbm4b:s2+s15], $0x80, v24, vm1, $0xb8;
	[tilespmem:$0x7180] =	vst v63  }
0x14f: {  	v23 =	vadd.s32 @!p1 v26, v23;
	s25 =	simm.s32 @!p1 $0x4980  }
0x150: {  	[tilespmem:s25], [sflag:$0x1] =	stream.indirect_vreg.gather @!p1 [hbm4b:s7+s15], $0x80, v24, vm1, $0xb8;
	[tilespmem:$0x7180] =	vst v63  }
0x151: {  	s25 =	simm.s32 @!p1 $0x5180  }
0x152: {  	[tilespmem:s25], [sflag:$0x1] =	stream.indirect_vreg.gather @!p1 [hbm4b:s8+s15], $0x80, v24, vm1, $0xb8;
	[tilespmem:$0x7180] =	vst v63  }
0x153: {  	s25 =	simm.s32 @!p1 $0x5980  }
0x154: {  	[tilespmem:s25], [sflag:$0x1] =	stream.indirect_vreg.gather @!p1 [hbm4b:s2+s15], $0x80, v23, vm1, $0xb8;
	[tilespmem:$0x7180] =	vst v63  }
0x155: {  	s25 =	simm.s32 @!p1 $0x6180  }
0x156: {  	[tilespmem:s25], [sflag:$0x1] =	stream.indirect_vreg.gather @!p1 [hbm4b:s7+s15], $0x80, v23, vm1, $0xb8;
	[tilespmem:$0x7180] =	vst v63  }
0x157: {  	s25 =	simm.s32 @!p1 $0x6980  }
0x158: {  	[tilespmem:s25], [sflag:$0x1] =	stream.indirect_vreg.gather @!p1 [hbm4b:s8+s15], $0x80, v23, vm1, $0xb8;
	[tilespmem:$0x7180] =	vst v63  }
0x159: {  	s25 =	simm.s32 @!p1 $0x1  }
0x15a: {  	_ =	swait.ge @!p1 [sflag:s25], $0x6000  }
0x15b: {  	[sflag:s25] =	ssyncset.done @!p1 $0x0  }
0x15c: {  	[sflag:s25] =	ssyncadd.s32 @!p1 $0xFFFFA000  }
0x15d: {  	[hbm4b:s13+s15] =	stream.linear.scatter @!p1 [tilespmem:s24], [sflag:$0x2], $0x6000, $0x38;
	[tilespmem:$0x7180] =	vst v63  }
0x15e: {  	s15 =	simm.s32 @!p1 $0x2  }
0x15f: {  	_ =	swait.ge @!p1 [sflag:s15], $0x6000  }
0x160: {  	p2 =	slt.u32 @!p1 s23, $0x21;
	[sflag:s15] =	ssyncset.done @!p1 $0x0  }
0x161: {  	[sflag:s15] =	ssyncadd.s32 @!p1 $0xFFFFA000;
	p1 =	por p1, p2  }
0x162: {  	v23 =	vld @!p1 [tilespmem:$0x920];
	_ =	sdelay $0x4  }
0x163: {  	v24 =	vshrl.u32 @!p1 v23, $0x3  }
0x164: {  	v24 =	vmul.u32 @!p1 $0x30, v24  }
0x165: {  	v25 =	vlaneseq.u32 @!p1;
	v23 =	vand.u32 @!p1 $0x7, v23  }
0x166: {  	v26 =	vshrl.u32 @!p1 v25, $0x3;
	v23 =	vor.u32 @!p1 v23, v24;
	v24 =	vand.u32 @!p1 $0x7, v25  }
0x167: {  	v26 =	vmul.u32 @!p1 $0x8, v26;
	v27 =	vperm.xlane @!p1 v23, v24;
	_ =	sdelay $0x1  }
0x168: {  	v27 =	vadd.s32 @!p1 v26, v27;
	_ =	sdelay $0x2  }
0x169: {  	v25 =	vor.u32 @!p1 $0x8, v25  }
0x16a: {  	vm1 =	vmmov @!p1 $0xffff;
	s15 =	simm.s32 @!p1 $0x0;
	s24 =	simm.s32 @!p1 $0x1180;
	v23 =	vperm.xlane @!p1 v23, v25  }
0x16b: {  	[tilespmem:s24], [sflag:$0x1] =	stream.indirect_vreg.gather @!p1 [hbm4b:s2+s15], $0x80, v27, vm1, $0xb8;
	[tilespmem:$0x7180] =	vst v63  }
0x16c: {  	s25 =	simm.s32 @!p1 $0x1980;
	v23 =	vadd.s32 @!p1 v26, v23  }
0x16d: {  	[tilespmem:s25], [sflag:$0x1] =	stream.indirect_vreg.gather @!p1 [hbm4b:s7+s15], $0x80, v27, vm1, $0xb8;
	[tilespmem:$0x7180] =	vst v63  }
0x16e: {  	s25 =	simm.s32 @!p1 $0x2180  }
0x16f: {  	[tilespmem:s25], [sflag:$0x1] =	stream.indirect_vreg.gather @!p1 [hbm4b:s8+s15], $0x80, v27, vm1, $0xb8;
	[tilespmem:$0x7180] =	vst v63  }
0x170: {  	s25 =	simm.s32 @!p1 $0x2980  }
0x171: {  	[tilespmem:s25], [sflag:$0x1] =	stream.indirect_vreg.gather @!p1 [hbm4b:s2+s15], $0x80, v23, vm1, $0xb8;
	[tilespmem:$0x7180] =	vst v63  }
0x172: {  	s25 =	simm.s32 @!p1 $0x3180  }
0x173: {  	[tilespmem:s25], [sflag:$0x1] =	stream.indirect_vreg.gather @!p1 [hbm4b:s7+s15], $0x80, v23, vm1, $0xb8;
	[tilespmem:$0x7180] =	vst v63  }
0x174: {  	s25 =	simm.s32 @!p1 $0x3980  }
0x175: {  	[tilespmem:s25], [sflag:$0x1] =	stream.indirect_vreg.gather @!p1 [hbm4b:s8+s15], $0x80, v23, vm1, $0xb8;
	[tilespmem:$0x7180] =	vst v63  }
0x176: {  	v23 =	vld @!p1 [tilespmem:$0x930];
	_ =	sdelay $0x4  }
0x177: {  	v27 =	vshrl.u32 @!p1 v23, $0x3  }
0x178: {  	v27 =	vmul.u32 @!p1 $0x30, v27  }
0x179: {  	v23 =	vand.u32 @!p1 $0x7, v23  }
0x17a: {  	v23 =	vor.u32 @!p1 v23, v27  }
0x17b: {  	v24 =	vperm.xlane @!p1 v23, v24;
	_ =	sdelay $0x1  }
0x17c: {  	v24 =	vadd.s32 @!p1 v26, v24;
	_ =	sdelay $0x3  }
0x17d: {  	s25 =	simm.s32 @!p1 $0x4180;
	v23 =	vperm.xlane @!p1 v23, v25  }
0x17e: {  	[tilespmem:s25], [sflag:$0x1] =	stream.indirect_vreg.gather @!p1 [hbm4b:s2+s15], $0x80, v24, vm1, $0xb8;
	[tilespmem:$0x7180] =	vst v63  }
0x17f: {  	v23 =	vadd.s32 @!p1 v26, v23;
	s25 =	simm.s32 @!p1 $0x4980  }
0x180: {  	[tilespmem:s25], [sflag:$0x1] =	stream.indirect_vreg.gather @!p1 [hbm4b:s7+s15], $0x80, v24, vm1, $0xb8;
	[tilespmem:$0x7180] =	vst v63  }
0x181: {  	s25 =	simm.s32 @!p1 $0x5180  }
0x182: {  	[tilespmem:s25], [sflag:$0x1] =	stream.indirect_vreg.gather @!p1 [hbm4b:s8+s15], $0x80, v24, vm1, $0xb8;
	[tilespmem:$0x7180] =	vst v63  }
0x183: {  	s25 =	simm.s32 @!p1 $0x5980  }
0x184: {  	[tilespmem:s25], [sflag:$0x1] =	stream.indirect_vreg.gather @!p1 [hbm4b:s2+s15], $0x80, v23, vm1, $0xb8;
	[tilespmem:$0x7180] =	vst v63  }
0x185: {  	s25 =	simm.s32 @!p1 $0x6180  }
0x186: {  	[tilespmem:s25], [sflag:$0x1] =	stream.indirect_vreg.gather @!p1 [hbm4b:s7+s15], $0x80, v23, vm1, $0xb8;
	[tilespmem:$0x7180] =	vst v63  }
0x187: {  	s25 =	simm.s32 @!p1 $0x6980  }
0x188: {  	[tilespmem:s25], [sflag:$0x1] =	stream.indirect_vreg.gather @!p1 [hbm4b:s8+s15], $0x80, v23, vm1, $0xb8;
	[tilespmem:$0x7180] =	vst v63  }
0x189: {  	s25 =	simm.s32 @!p1 $0x1  }
0x18a: {  	_ =	swait.ge @!p1 [sflag:s25], $0x6000  }
0x18b: {  	p2 =	slt.u32 @!p1 s23, $0x41;
	[sflag:s25] =	ssyncset.done @!p1 $0x0  }
0x18c: {  	p2 =	por p1, p2;
	[sflag:s25] =	ssyncadd.s32 @!p1 $0xFFFFA000  }
0x18d: {  	[hbm4b:s14+s15] =	stream.linear.scatter @!p1 [tilespmem:s24], [sflag:$0x2], $0x6000, $0x38;
	[tilespmem:$0x7180] =	vst v63  }
.Ltmp4:
0x18e: {  	_ = 	snop;
	(pc) =	sbr.rel @p2 .LBB2_7-.Ltmp4, $4  }
0x18f: {  	s15 =	simm.s32 @!p1 $0x2  }
0x190: {  	_ =	swait.ge @!p1 [sflag:s15], $0x6000  }
0x191: {  	[sflag:s15] =	ssyncset.done @!p1 $0x0  }
0x192: {  	[sflag:s15] =	ssyncadd.s32 @!p1 $0xFFFFA000  }
0x193: {  	v23 =	vld [tilespmem:$0x940];
	_ =	sdelay $0x4  }
0x194: {  	v24 =	vshrl.u32 v23, $0x3  }
0x195: {  	v24 =	vmul.u32 $0x30, v24  }
0x196: {  	v23 =	vand.u32 $0x7, v23  }
0x197: {  	v23 =	vor.u32 v23, v24  }
0x198: {  	v24 =	vperm.xlane v23, v20;
	_ =	sdelay $0x1  }
0x199: {  	v24 =	vadd.s32 v21, v24;
	_ =	sdelay $0x3  }
0x19a: {  	v23 =	vperm.xlane v23, v22  }
0x19b: {  	[tilespmem:s22], [sflag:$0x1] =	stream.indirect_vreg.gather [hbm4b:s2+s4], $0x80, v24, vm0, $0xb8;
	[tilespmem:$0x7180] =	vst v63  }
0x19c: {  	s15 =	simm.s32 $0x1980;
	v23 =	vadd.s32 v21, v23  }
0x19d: {  	[tilespmem:s15], [sflag:$0x1] =	stream.indirect_vreg.gather [hbm4b:s7+s4], $0x80, v24, vm0, $0xb8;
	[tilespmem:$0x7180] =	vst v63  }
0x19e: {  	s25 =	simm.s32 $0x2180  }
0x19f: {  	[tilespmem:s25], [sflag:$0x1] =	stream.indirect_vreg.gather [hbm4b:s8+s4], $0x80, v24, vm0, $0xb8;
	[tilespmem:$0x7180] =	vst v63  }
0x1a0: {  	s24 =	simm.s32 $0x2980  }
0x1a1: {  	[tilespmem:s24], [sflag:$0x1] =	stream.indirect_vreg.gather [hbm4b:s2+s4], $0x80, v23, vm0, $0xb8;
	[tilespmem:$0x7180] =	vst v63  }
0x1a2: {  	_ = 	snop  }
0x1a3: {  	[tilespmem:s26], [sflag:$0x1] =	stream.indirect_vreg.gather [hbm4b:s7+s4], $0x80, v23, vm0, $0xb8;
	[tilespmem:$0x7180] =	vst v63  }
0x1a4: {  	_ = 	snop  }
0x1a5: {  	[tilespmem:s28], [sflag:$0x1] =	stream.indirect_vreg.gather [hbm4b:s8+s4], $0x80, v23, vm0, $0xb8;
	[tilespmem:$0x7180] =	vst v63  }
0x1a6: {  	v23 =	vld [tilespmem:$0x950];
	_ =	sdelay $0x4  }
0x1a7: {  	v63 =	vshrl.u32 v23, $0x3  }
0x1a8: {  	v24 =	vmul.u32 $0x30, v63  }
0x1a9: {  	v23 =	vand.u32 $0x7, v23  }
0x1aa: {  	v23 =	vor.u32 v23, v24  }
0x1ab: {  	v24 =	vperm.xlane v23, v20;
	_ =	sdelay $0x1  }
0x1ac: {  	v24 =	vadd.s32 v21, v24;
	_ =	sdelay $0x3  }
0x1ad: {  	v23 =	vperm.xlane v23, v22  }
0x1ae: {  	[tilespmem:s29], [sflag:$0x1] =	stream.indirect_vreg.gather [hbm4b:s2+s4], $0x80, v24, vm0, $0xb8;
	[tilespmem:$0x7180] =	vst v63  }
0x1af: {  	v23 =	vadd.s32 v21, v23  }
0x1b0: {  	[tilespmem:s30], [sflag:$0x1] =	stream.indirect_vreg.gather [hbm4b:s7+s4], $0x80, v24, vm0, $0xb8;
	[tilespmem:$0x7180] =	vst v63  }
0x1b1: {  	_ = 	snop  }
0x1b2: {  	[tilespmem:s31], [sflag:$0x1] =	stream.indirect_vreg.gather [hbm4b:s8+s4], $0x80, v24, vm0, $0xb8;
	[tilespmem:$0x7180] =	vst v63  }
0x1b3: {  	_ = 	snop  }
0x1b4: {  	[tilespmem:s0], [sflag:$0x1] =	stream.indirect_vreg.gather [hbm4b:s2+s4], $0x80, v23, vm0, $0xb8;
	[tilespmem:$0x7180] =	vst v63  }
0x1b5: {  	_ = 	snop  }
0x1b6: {  	[tilespmem:s3], [sflag:$0x1] =	stream.indirect_vreg.gather [hbm4b:s7+s4], $0x80, v23, vm0, $0xb8;
	[tilespmem:$0x7180] =	vst v63  }
0x1b7: {  	_ = 	snop  }
0x1b8: {  	[tilespmem:s1], [sflag:$0x1] =	stream.indirect_vreg.gather [hbm4b:s8+s4], $0x80, v23, vm0, $0xb8;
	[tilespmem:$0x7180] =	vst v63  }
0x1b9: {  	_ =	swait.ge [sflag:s11], $0x6000  }
0x1ba: {  	[sflag:s11] =	ssyncset.done $0x0  }
0x1bb: {  	s25 =	rddreg [dreg:$0x6];
	[sflag:s11] =	ssyncadd.s32 $0xFFFFA000  }
0x1bc: {  	[hbm4b:s25+s4] =	stream.linear.scatter [tilespmem:s22], [sflag:$0x2], $0x6000, $0x38;
	[tilespmem:$0x7180] =	vst v63  }
0x1bd: {  	_ =	swait.ge [sflag:s18], $0x6000  }
0x1be: {  	[sflag:s18] =	ssyncset.done $0x0  }
0x1bf: {  	p1 =	slt.u32 s23, $0x61;
	[sflag:s18] =	ssyncadd.s32 $0xFFFFA000  }
0x1c0: {  	v23 =	vld @!p1 [tilespmem:$0x960];
	_ =	sdelay $0x4  }
0x1c1: {  	v24 =	vshrl.u32 @!p1 v23, $0x3  }
0x1c2: {  	v24 =	vmul.u32 @!p1 $0x30, v24  }
0x1c3: {  	v25 =	vlaneseq.u32 @!p1;
	v23 =	vand.u32 @!p1 $0x7, v23  }
0x1c4: {  	v26 =	vshrl.u32 @!p1 v25, $0x3;
	v23 =	vor.u32 @!p1 v23, v24;
	v24 =	vand.u32 @!p1 $0x7, v25  }
0x1c5: {  	v26 =	vmul.u32 @!p1 $0x8, v26;
	v27 =	vperm.xlane @!p1 v23, v24;
	_ =	sdelay $0x1  }
0x1c6: {  	v27 =	vadd.s32 @!p1 v26, v27;
	_ =	sdelay $0x2  }
0x1c7: {  	v25 =	vor.u32 @!p1 $0x8, v25  }
0x1c8: {  	vm1 =	vmmov @!p1 $0xffff;
	s23 =	simm.s32 @!p1 $0x1180;
	s15 =	simm.s32 @!p1 $0x0;
	v23 =	vperm.xlane @!p1 v23, v25  }
0x1c9: {  	[tilespmem:s23], [sflag:$0x1] =	stream.indirect_vreg.gather @!p1 [hbm4b:s2+s15], $0x80, v27, vm1, $0xb8;
	[tilespmem:$0x7180] =	vst v63  }
0x1ca: {  	s24 =	simm.s32 @!p1 $0x1980;
	v23 =	vadd.s32 @!p1 v26, v23  }
0x1cb: {  	[tilespmem:s24], [sflag:$0x1] =	stream.indirect_vreg.gather @!p1 [hbm4b:s7+s15], $0x80, v27, vm1, $0xb8;
	[tilespmem:$0x7180] =	vst v63  }
0x1cc: {  	s24 =	simm.s32 @!p1 $0x2180  }
0x1cd: {  	[tilespmem:s24], [sflag:$0x1] =	stream.indirect_vreg.gather @!p1 [hbm4b:s8+s15], $0x80, v27, vm1, $0xb8;
	[tilespmem:$0x7180] =	vst v63  }
0x1ce: {  	s24 =	simm.s32 @!p1 $0x2980  }
0x1cf: {  	[tilespmem:s24], [sflag:$0x1] =	stream.indirect_vreg.gather @!p1 [hbm4b:s2+s15], $0x80, v23, vm1, $0xb8;
	[tilespmem:$0x7180] =	vst v63  }
0x1d0: {  	s24 =	simm.s32 @!p1 $0x3180  }
0x1d1: {  	[tilespmem:s24], [sflag:$0x1] =	stream.indirect_vreg.gather @!p1 [hbm4b:s7+s15], $0x80, v23, vm1, $0xb8;
	[tilespmem:$0x7180] =	vst v63  }
0x1d2: {  	s24 =	simm.s32 @!p1 $0x3980  }
0x1d3: {  	[tilespmem:s24], [sflag:$0x1] =	stream.indirect_vreg.gather @!p1 [hbm4b:s8+s15], $0x80, v23, vm1, $0xb8;
	[tilespmem:$0x7180] =	vst v63  }
0x1d4: {  	v23 =	vld @!p1 [tilespmem:$0x970];
	_ =	sdelay $0x4  }
0x1d5: {  	v27 =	vshrl.u32 @!p1 v23, $0x3  }
0x1d6: {  	v27 =	vmul.u32 @!p1 $0x30, v27  }
0x1d7: {  	v23 =	vand.u32 @!p1 $0x7, v23  }
0x1d8: {  	v23 =	vor.u32 @!p1 v23, v27  }
0x1d9: {  	v24 =	vperm.xlane @!p1 v23, v24;
	_ =	sdelay $0x1  }
0x1da: {  	v24 =	vadd.s32 @!p1 v26, v24;
	_ =	sdelay $0x3  }
0x1db: {  	s24 =	simm.s32 @!p1 $0x4180;
	v23 =	vperm.xlane @!p1 v23, v25  }
0x1dc: {  	[tilespmem:s24], [sflag:$0x1] =	stream.indirect_vreg.gather @!p1 [hbm4b:s2+s15], $0x80, v24, vm1, $0xb8;
	[tilespmem:$0x7180] =	vst v63  }
0x1dd: {  	v23 =	vadd.s32 @!p1 v26, v23;
	s24 =	simm.s32 @!p1 $0x4980  }
0x1de: {  	[tilespmem:s24], [sflag:$0x1] =	stream.indirect_vreg.gather @!p1 [hbm4b:s7+s15], $0x80, v24, vm1, $0xb8;
	[tilespmem:$0x7180] =	vst v63  }
0x1df: {  	s24 =	simm.s32 @!p1 $0x5180  }
0x1e0: {  	[tilespmem:s24], [sflag:$0x1] =	stream.indirect_vreg.gather @!p1 [hbm4b:s8+s15], $0x80, v24, vm1, $0xb8;
	[tilespmem:$0x7180] =	vst v63  }
0x1e1: {  	s24 =	simm.s32 @!p1 $0x5980  }
0x1e2: {  	[tilespmem:s24], [sflag:$0x1] =	stream.indirect_vreg.gather @!p1 [hbm4b:s2+s15], $0x80, v23, vm1, $0xb8;
	[tilespmem:$0x7180] =	vst v63  }
0x1e3: {  	s24 =	simm.s32 @!p1 $0x6180  }
0x1e4: {  	[tilespmem:s24], [sflag:$0x1] =	stream.indirect_vreg.gather @!p1 [hbm4b:s7+s15], $0x80, v23, vm1, $0xb8;
	[tilespmem:$0x7180] =	vst v63  }
0x1e5: {  	s24 =	simm.s32 @!p1 $0x6980  }
0x1e6: {  	[tilespmem:s24], [sflag:$0x1] =	stream.indirect_vreg.gather @!p1 [hbm4b:s8+s15], $0x80, v23, vm1, $0xb8;
	[tilespmem:$0x7180] =	vst v63  }
0x1e7: {  	s24 =	simm.s32 @!p1 $0x1  }
0x1e8: {  	_ =	swait.ge @!p1 [sflag:s24], $0x6000  }
0x1e9: {  	[sflag:s24] =	ssyncset.done @!p1 $0x0  }
0x1ea: {  	[sflag:s24] =	ssyncadd.s32 @!p1 $0xFFFFA000  }
0x1eb: {  	[hbm4b:s16+s15] =	stream.linear.scatter @!p1 [tilespmem:s23], [sflag:$0x2], $0x6000, $0x38;
	[tilespmem:$0x7180] =	vst v63  }
.Ltmp5:
0x1ec: {  	_ = 	snop;
	(pc) =	sbr.rel .LBB2_7-.Ltmp5, $4  }
0x1ed: {  	s15 =	simm.s32 @!p1 $0x2  }
0x1ee: {  	_ =	swait.ge @!p1 [sflag:s15], $0x6000  }
0x1ef: {  	[sflag:s15] =	ssyncset.done @!p1 $0x0  }
0x1f0: {  	[sflag:s15] =	ssyncadd.s32 @!p1 $0xFFFFA000  }
.LBB2_8:
0x1f1: {  	_ =	sfence.sel $0x180000  }
0x1f2: {  	[bflag:$0x0] =	sbarrier.arrive $0xFFFF  }
0x1f3: {  	_ =	strace $0x90000047  }
0x1f4: {  	s0 =	stileid.u32;
	[bflag:$0x2] =	sbarrier.arrive $0xFFFF  }
0x1f5: {  	p0 =	sne.s32 s0, $0x0;
	s0 =	rddreg [dreg:$0x3]  }
0x1f6: {  	s0 =	sadd.s32 @!p0 $0x100000, s0  }
0x1f7: {  	[sflag:s0] =	ssyncadd.tile.s32 @!p0 $0x1;
	_ =	shalt  }
.Lfunc_end2:
_tile_overlayer_lowered:
.L_overlay_start_2:
0x1f8: {  	(tag) =	ssettag $0x2  }
0x1f9: {  	s0 =	rddreg [dreg:$0x0];
	s2 =	stileid.u32  }
0x1fa: {  	s1 =	rddreg [dreg:$0x1];
	p0 =	sne.s32 s2, $0x0  }
0x1fb: {  	s3 =	rddreg [dreg:$0x2];
	[bflag:$0x3] =	sbarrier.arrive $0xFFFF;
	s2 =	simm.s32 @!p0 $0x1C02  }
0x1fc: {  	[timem:s3], [sflag:s2] =	dma.local @!p0 [hbm:s0], s1  }
0x1fd: {  	s0 =	simm.s32 @!p0 $0x2  }
0x1fe: {  	_ =	swait.ge @!p0 [sflag:s0], s1  }
0x1ff: {  	s1 =	ssub.s32 @!p0 $0x0, s1;
	[sflag:s0] =	ssyncset.done @!p0 $0x0  }
0x200: {  	[sflag:s0] =	ssyncadd.s32 @!p0 s1  }
0x201: {  	[bflag:$0x3] =	sbarrier.arrive $0xFFFF  }
0x202: {  	_ =	shalt  }

// kernel: kernel.9.cloned.1.call-start
scs
__scs_entry_jumppad:
0x0: {  	(pc) =	sbr.rel $0x88, $3  }
0x1: {  	(tag) =	ssettag $0x0;
	lr =	simm.s32 $0x1  }
0x2: {  	[smem:$0x3F9B] =	sst lr;
	_ =	strace $0xD0000000  }
0x3: {  	_ = 	snop  }
0x4: {  	_ = 	snop  }
0x5: {  	_ = 	snop  }
0x6: {  	_ = 	snop  }
0x7: {  	_ = 	snop  }
__scs_overlays_trampoline_lowered:
0x8: {  	[smem:$0x3FAA] =	sst s0  }
0x9: {  	[smem:$0x3FAB] =	sst s1  }
0xa: {  	[smem:$0x3FAC] =	sst s2  }
0xb: {  	[smem:$0x3FAD] =	sst s3  }
0xc: {  	[smem:$0x3FAE] =	sst s4  }
0xd: {  	[smem:$0x3FAF] =	sst s5  }
0xe: {  	[smem:$0x3FB0] =	sst s6  }
0xf: {  	[smem:$0x3FB1] =	sst s7  }
0x10: {  	[smem:$0x3FB2] =	sst s8  }
0x11: {  	[smem:$0x3FB3] =	sst s9;
	s0 =	simm.s32 @!p0 $0x0  }
0x12: {  	s1 =	sld [smem:$0x3F99];
	s0 =	simm.s32 @p0 $0x1  }
0x13: {  	[smem:$0x3FB4] =	sst s0;
	s0 =	simm.s32 @!p1 $0x0  }
0x14: {  	s2 =	sld [smem:$0x3F98];
	s0 =	simm.s32 @p1 $0x1  }
0x15: {  	[smem:$0x3FB5] =	sst s0;
	s0 =	simm.s32 @!p2 $0x0  }
0x16: {  	s3 =	sld [smem:$0x3FDB];
	s0 =	simm.s32 @p2 $0x1  }
0x17: {  	s4 =	simm.s32 $0x1BF5;
	[smem:$0x3FB7] =	sst s0  }
0x18: {  	s0 =	sld [smem:$0x3F9A];
	_ =	swait.ge [sflag:s4], $0x0  }
0x19: {  	s7 =	sld [smem:$0x3F9B]  }
0x1a: {  	s8 =	sadd.s32 $0xFFFFE003, lr  }
0x1b: {  	s9 =	sadd.s32 $0xFFFFFEF7, lr;
	s5 =	simm.s32 $0xFFFFFFFF;
	p2 =	slt.u32 s8, $0xFFFFF086  }
0x1c: {  	p1 =	slt.u32 s9, $0xF7A;
	s5 =	simm.s32 @!p2 $0x0  }
0x1d: {  	s5 =	simm.s32 @p1 $0x1;
	p0 =	seq.s32 s7, s2  }
0x1e: {  	s7 =	smul.u32 @!p0 $0xF7A, s2;
	p2 =	seq.s32 @!p0 s5, $0x0  }
0x1f: {  	s9 =	smul.u32 $0xF7A, s1;
	s8 =	simm.s32 @!p0 $0x1BF5;
	p2 =	por !p2, p0  }
0x20: {  	[sflag:s8] =	ssyncset.s32 @!p0 $0xFFFFF086;
	s6 =	sadd.s32 @!p0 s3, s7;
	s7 =	simm.s32 @!p0 $0x108  }
0x21: {  	s3 =	sadd.s32 s3, s9;
	s6 =	sadd.s32 @!p0 $0x88, s6;
	s7 =	simm.s32 @p2 $0x1082  }
0x22: {  	[simem:s7], [sflag:s8] =	dma.local @!p0 [hbm:s6], $0xF7A  }
0x23: {  	s9 =	sor.u32 $0xD0000000, s2;
	s6 =	simm.s32 $0x108;
	_ =	swait.ge @!p0 [sflag:s8], $0x0  }
0x24: {  	s3 =	sadd.s32 $0x88, s3;
	s6 =	simm.s32 @!p1 $0x1082;
	[sflag:s4] =	ssyncset.s32 $0xFFFFF086  }
0x25: {  	[simem:s6], [sflag:s4] =	dma.local [hbm:s3], $0xF7A  }
0x26: {  	[smem:$0x3F9B] =	sst s1;
	(tag) =	ssettag s2;
	_ =	strace s9  }
0x27: {  	s1 =	sld [smem:$0x3FAB]  }
0x28: {  	s2 =	sld [smem:$0x3FAC]  }
0x29: {  	s4 =	sld [smem:$0x3FAE]  }
0x2a: {  	p0 =	seq.s32 s5, $0x0;
	s5 =	sld [smem:$0x3FAF]  }
0x2b: {  	s6 =	sld [smem:$0x3FB0]  }
0x2c: {  	s7 =	sld [smem:$0x3FB1]  }
0x2d: {  	s3 =	simm.s32 $0x108;
	s8 =	sld [smem:$0x3FB2]  }
0x2e: {  	s3 =	simm.s32 @!p0 $0x1082;
	s9 =	sld [smem:$0x3FB3]  }
0x2f: {  	lr =	sadd.s32 s0, s3;
	s0 =	sld [smem:$0x3FAA]  }
0x30: {  	s3 =	sld [smem:$0x3FAD]  }
0x31: {  	[smem:$0x3FB6] =	sst s10  }
0x32: {  	s10 =	sld [smem:$0x3FB4];
	_ =	sdelay $0x3  }
0x33: {  	p0 =	seq.s32 s10, $0x1;
	s10 =	sld [smem:$0x3FB6];
	_ =	sdelay $0x3  }
0x34: {  	[smem:$0x3FB6] =	sst s10  }
0x35: {  	s10 =	sld [smem:$0x3FB5];
	_ =	sdelay $0x3  }
0x36: {  	p1 =	seq.s32 s10, $0x1;
	s10 =	sld [smem:$0x3FB6];
	_ =	sdelay $0x3  }
0x37: {  	[smem:$0x3FB6] =	sst s10  }
0x38: {  	s10 =	sld [smem:$0x3FB7]  }
0x39: {  	_ = 	snop;
	(pc) =	sbr.ind lr, $3  }
0x3a: {  	_ = 	snop  }
0x3b: {  	_ = 	snop  }
0x3c: {  	p2 =	seq.s32 s10, $0x1;
	s10 =	sld [smem:$0x3FB6]  }
0x3d: {  	_ =	shalt  }
0x3e: {  	_ =	shalt  }
0x3f: {  	_ =	shalt  }
0x40: {  	_ =	shalt  }
0x41: {  	_ =	shalt  }
0x42: {  	_ =	shalt  }
0x43: {  	_ =	shalt  }
0x44: {  	_ =	shalt  }
0x45: {  	_ =	shalt  }
0x46: {  	_ =	shalt  }
0x47: {  	_ =	shalt  }
0x48: {  	_ =	shalt  }
0x49: {  	_ =	shalt  }
0x4a: {  	_ =	shalt  }
0x4b: {  	_ =	shalt  }
0x4c: {  	_ =	shalt  }
0x4d: {  	_ =	shalt  }
0x4e: {  	_ =	shalt  }
0x4f: {  	_ =	shalt  }
0x50: {  	_ =	shalt  }
0x51: {  	_ =	shalt  }
0x52: {  	_ =	shalt  }
0x53: {  	_ =	shalt  }
0x54: {  	_ =	shalt  }
0x55: {  	_ =	shalt  }
0x56: {  	_ =	shalt  }
0x57: {  	_ =	shalt  }
0x58: {  	_ =	shalt  }
0x59: {  	_ =	shalt  }
0x5a: {  	_ =	shalt  }
0x5b: {  	_ =	shalt  }
0x5c: {  	_ =	shalt  }
0x5d: {  	_ =	shalt  }
0x5e: {  	_ =	shalt  }
0x5f: {  	_ =	shalt  }
0x60: {  	_ =	shalt  }
0x61: {  	_ =	shalt  }
0x62: {  	_ =	shalt  }
0x63: {  	_ =	shalt  }
0x64: {  	_ =	shalt  }
0x65: {  	_ =	shalt  }
0x66: {  	_ =	shalt  }
0x67: {  	_ =	shalt  }
0x68: {  	_ =	shalt  }
0x69: {  	_ =	shalt  }
0x6a: {  	_ =	shalt  }
0x6b: {  	_ =	shalt  }
0x6c: {  	_ =	shalt  }
0x6d: {  	_ =	shalt  }
0x6e: {  	_ =	shalt  }
0x6f: {  	_ =	shalt  }
0x70: {  	_ =	shalt  }
0x71: {  	_ =	shalt  }
0x72: {  	_ =	shalt  }
0x73: {  	_ =	shalt  }
0x74: {  	_ =	shalt  }
0x75: {  	_ =	shalt  }
0x76: {  	_ =	shalt  }
0x77: {  	_ =	shalt  }
0x78: {  	_ =	shalt  }
0x79: {  	_ =	shalt  }
0x7a: {  	_ =	shalt  }
0x7b: {  	_ =	shalt  }
0x7c: {  	_ =	shalt  }
0x7d: {  	_ =	shalt  }
0x7e: {  	_ =	shalt  }
0x7f: {  	_ =	shalt  }
0x80: {  	_ =	shalt  }
0x81: {  	_ =	shalt  }
0x82: {  	_ =	shalt  }
0x83: {  	_ =	shalt  }
0x84: {  	_ =	shalt  }
0x85: {  	_ =	shalt  }
0x86: {  	_ =	shalt  }
0x87: {  	_ =	shalt  }
.Lfunc_end0:
.L_simem_size_0:
called_computation.1_lowered:
.L_overlay_start_0:
0x88: {  	s2 =	sld [smem:$0x3FD9]  }
0x89: {  	s3 =	sld [smem:$0x3FFE];
	_ =	sdelay $0x1  }
0x8a: {  	s1 =	srdreg.scid  }
0x8b: {  	s0 =	sand.u32 $0x1, s1  }
0x8c: {  	s17 =	sshll.u32 s0, $0xA;
	s2 =	sadd.s32 s3, s2  }
0x8d: {  	s2 =	sadd.s32 s2, s17  }
0x8e: {  	[smem:$0x3FC2] =	sst s2  }
0x8f: {  	_ = 	snop  }
0x90: {  	s2 =	sld [smem:$0x3FD0];
	(tm) =	ssettm $0x1  }
0x91: {  	s18 =	sld [smem:$0x3FFB];
	_ =	sdelay $0x3  }
0x92: {  	_ =	strace s18  }
0x93: {  	s3 =	sld [smem:$0x3FFC];
	_ =	sdelay $0x3  }
0x94: {  	_ =	strace s3  }
0x95: {  	s3 =	sld [smem:$0x3FFD];
	_ =	sdelay $0x3  }
0x96: {  	_ =	strace s3  }
0x97: {  	_ =	strace $0x8FFFFFFF  }
0x98: {  	s19 =	sld [smem:$0x3FDB];
	_ =	sdelay $0x1  }
0x99: {  	s4 =	simm.s32 $_scs_section_size  }
0x9a: {  	s5 =	simm.s32 $_size__tile_overlayer_lowered;
	s6 =	simm.s32 $_tile_overlayer_lowered  }
0x9b: {  	s22 =	simm.s32 $0x1BFF;
	s21 =	sshll.u32 s6, $0x1;
	s3 =	sadd.s32 s4, s19  }
0x9c: {  	s7 =	simm.s32 $0x0;
	s20 =	sshll.u32 s5, $0x1;
	s5 =	sadd.s32 s21, s3  }
0x9d: {  	[timem:s7], [sflag:s22] =	dma.local [hbm:s5], s20  }
0x9e: {  	_ =	swait.ge [sflag:s22], s20  }
0x9f: {  	s4 =	ssub.s32 $0x0, s20;
	[sflag:s22] =	ssyncset.done $0x0  }
0xa0: {  	[sflag:s22] =	ssyncadd.s32 s4;
	_ =	sdelay $0x1  }
0xa1: {  	s23 =	simm.s32 $0x1B8B  }
0xa2: {  	_ =	swait.ge [sflag:s23], $0x1  }
0xa3: {  	[sflag:s23] =	ssyncset.done $0x0  }
0xa4: {  	s25 =	simm.s32 $0x1B8E;
	s24 =	sld [smem:$0x3FFE];
	[sflag:s23] =	ssyncadd.s32 $0xFFFFFFFF  }
0xa5: {  	s26 =	simm.s32 $execute0_lowered;
	[smem:$0x3FD2] =	sst s25  }
0xa6: {  	s5 =	sshll.u32 s26, $0x1;
	_ =	strace $0x80000049;
	[dreg:$0x1] =	wrdreg $0xFFFFFFFF  }
0xa7: {  	s28 =	simm.s32 $_size_execute0_lowered;
	s3 =	sadd.s32 s3, s5;
	[dreg:$0x0] =	wrdreg $0x0  }
0xa8: {  	s5 =	sshll.u32 s28, $0x1;
	[dreg:$0x2] =	wrdreg s3  }
0xa9: {  	[dreg:$0x3] =	wrdreg s5  }
0xaa: {  	[dreg:$0x4] =	wrdreg $0xC0  }
0xab: {  	_ =	task [dreg:s7], $0x5FFFF  }
0xac: {  	[dreg:$0x1] =	wrdreg $0xFFFFFFFF  }
0xad: {  	[dreg:$0x0] =	wrdreg $0x60  }
0xae: {  	[dreg:$0x2] =	wrdreg s24  }
0xaf: {  	[dreg:$0x3] =	wrdreg s2  }
0xb0: {  	[dreg:$0x4] =	wrdreg $0x9  }
0xb1: {  	_ =	task.clear_ibuf [dreg:s7], $0x5FFFF;
	_ =	strace $0x90000049  }
0xb2: {  	s29 =	simm.s32 $0x9;
	_ =	strace $0x8000004B  }
0xb3: {  	_ =	swait.ge [sflag:s29], $0x1  }
0xb4: {  	[sflag:s29] =	ssyncadd.s32 $0xFFFFFFFF  }
0xb5: {  	_ =	strace $0x9000004B  }
0xb6: {  	_ =	sfence  }
0xb7: {  	s30 =	sld [smem:$0x0];
	_ =	sdelay $0x2  }
0xb8: {  	s31 =	sshll.u32 s1, $0xD;
	s1 =	sshrl.u32 s1, $0x2  }
0xb9: {  	s3 =	sand.u32 $0x4000, s31;
	s1 =	sadd.s32 s1, s30  }
0xba: {  	s0 =	sor.u32 s3, s0;
	s1 =	sshll.u32 s1, $0x11  }
0xbb: {  	s0 =	sor.u32 s1, s0  }
0xbc: {  	s0 =	sadd.s32 $0x8F2B, s0  }
0xbd: {  	[sflag:s0] =	ssyncadd.remote.s32 $0x1  }
0xbe: {  	_ =	sfence.sel $0xFFFF  }
0xbf: {  	[dreg:$0x0] =	wrdreg $0xFFFFFFFF;
	(pc) =	sbr.abs _section_cstart, $3  }
0xc0: {  	[dreg:$0x1] =	wrdreg $0xFFFFFFFF  }
0xc1: {  	_ =	task.clear_ibuf [dreg:s7], $0x2FFFF;
	_ =	strace $0x9FFFFFFF  }
0xc2: {  	(tm) =	ssettm $0x7FFFFFFF  }
0xc3: {  	_ =	shalt  }
tec
execute0_lowered:
.L_overlay_start_1:
0x0: {  	(tag) =	ssettag $0x1  }
0x1: {  	s0 =	rddreg [dreg:$0x0]  }
0x2: {  	s1 =	rddreg [dreg:$0x1];
	s3 =	srdreg.scid  }
0x3: {  	s2 =	simm.s32 $0x0;
	s4 =	stileid.u32;
	s10 =	simm.s32 $0x2  }
0x4: {  	s11 =	simm.s32 $0x80;
	s12 =	simm.s32 $0x100;
	s22 =	simm.s32 $0x5100  }
0x5: {  	s23 =	simm.s32 $0x5900;
	s24 =	simm.s32 $0x6100;
	s25 =	simm.s32 $0x6900  }
0x6: {  	s28 =	simm.s32 $0x7900;
	s29 =	simm.s32 $0x8100;
	s30 =	simm.s32 $0x8900  }
0x7: {  	s31 =	simm.s32 $0x9100;
	s13 =	simm.s32 $0xA900;
	s14 =	simm.s32 $0xB100  }
0x8: {  	s15 =	simm.s32 $0xB900;
	s16 =	simm.s32 $0x1;
	s17 =	simm.s32 $0x0  }
0x9: {  	s3 =	sand.u32 $0x1, s3;
	[smem:$0x7FF] =	sst s2;
	s4 =	sshll.u32 s4, $0x4  }
0xa: {  	s5 =	sshll.u32 s3, $0x3;
	_ =	strace $0x8000004A;
	s26 =	ssub.s32 $0x2, s3  }
0xb: {  	s3 =	sadd.s32 $0xC2000, s0;
	s5 =	sor.u32 s5, s4;
	s7 =	sshrl.u32 s26, $0x1  }
0xc: {  	s6 =	sadd.s32 s5, s0;
	s9 =	ssub.s32 s26, s7;
	s8 =	smul.u32 $0x300, s5  }
0xd: {  	v2 =	vlaneseq.u32;
	s7 =	sadd.s32 $0xC2200, s0;
	s26 =	simm.s32 $0x7100;
	s4 =	sadd.s32 $0xC1E00, s6  }
0xe: {  	vm0 =	vmmov $0xffff;
	v1 =	vshrl.u32 v2, $0x3;
	s5 =	sadd.s32 $0x1C00, s6;
	s6 =	sadd.s32 $0xC2100, s0;
	s9 =	smax.u32 s9, $0x1  }
0xf: {  	v0 =	vand.u32 $0x7, v2;
	v2 =	vor.u32 $0x8, v2;
	v1 =	vmul.u32 $0x8, v1;
	s0 =	simm.s32 $0x9900;
	s8 =	sadd.s32 s1, s8;
	s1 =	simm.s32 $0xA100  }
.LBB2_1:
0x10: {  	[tilespmem:s2], [sflag:$0x2] =	stream.linear.gather [hbm4b:s4+s2], $0x40, $0x38;
	[tilespmem:$0xC100] =	vst v63  }
0x11: {  	_ =	swait.ge [sflag:s10], $0x40  }
0x12: {  	[sflag:s10] =	ssyncset.done $0x0  }
0x13: {  	[sflag:s10] =	ssyncadd.s32 $0xFFFFFFC0  }
0x14: {  	[tilespmem:s11], [sflag:$0x2] =	stream.linear.gather [hbm4b:s5+s2], $0x40, $0x38;
	[tilespmem:$0xC100] =	vst v63  }
0x15: {  	_ =	swait.ge [sflag:s10], $0x40  }
0x16: {  	[sflag:s10] =	ssyncset.done $0x0  }
0x17: {  	[sflag:s10] =	ssyncadd.s32 $0xFFFFFFC0  }
0x18: {  	v3 =	vld [tilespmem:$0x0];
	_ =	sdelay $0x4  }
0x19: {  	v4 =	vshrl.u32 v3, $0x3  }
0x1a: {  	v4 =	vmul.u32 $0x30, v4  }
0x1b: {  	v3 =	vand.u32 $0x7, v3  }
0x1c: {  	v3 =	vor.u32 v3, v4  }
0x1d: {  	v4 =	vperm.xlane v3, v0;
	_ =	sdelay $0x1  }
0x1e: {  	v4 =	vadd.s32 v1, v4;
	_ =	sdelay $0x3  }
0x1f: {  	v3 =	vperm.xlane v3, v2  }
0x20: {  	[tilespmem:s12], [sflag:$0x1] =	stream.indirect_vreg.gather [hbm4b:s3+s2], $0x80, v4, vm0, $0xb8;
	[tilespmem:$0xC100] =	vst v63  }
0x21: {  	s18 =	simm.s32 $0x900;
	v3 =	vadd.s32 v1, v3  }
0x22: {  	[tilespmem:s18], [sflag:$0x1] =	stream.indirect_vreg.gather [hbm4b:s6+s2], $0x80, v4, vm0, $0xb8;
	[tilespmem:$0xC100] =	vst v63  }
0x23: {  	s20 =	simm.s32 $0x1100  }
0x24: {  	[tilespmem:s20], [sflag:$0x1] =	stream.indirect_vreg.gather [hbm4b:s7+s2], $0x80, v4, vm0, $0xb8;
	[tilespmem:$0xC100] =	vst v63  }
0x25: {  	s21 =	simm.s32 $0x1900  }
0x26: {  	[tilespmem:s21], [sflag:$0x1] =	stream.indirect_vreg.gather [hbm4b:s3+s2], $0x80, v3, vm0, $0xb8;
	[tilespmem:$0xC100] =	vst v63  }
0x27: {  	s19 =	simm.s32 $0x2100  }
0x28: {  	[tilespmem:s19], [sflag:$0x1] =	stream.indirect_vreg.gather [hbm4b:s6+s2], $0x80, v3, vm0, $0xb8;
	[tilespmem:$0xC100] =	vst v63  }
0x29: {  	s20 =	simm.s32 $0x2900  }
0x2a: {  	[tilespmem:s20], [sflag:$0x1] =	stream.indirect_vreg.gather [hbm4b:s7+s2], $0x80, v3, vm0, $0xb8;
	[tilespmem:$0xC100] =	vst v63  }
0x2b: {  	v3 =	vld [tilespmem:$0x10];
	_ =	sdelay $0x4  }
0x2c: {  	v61 =	vshrl.u32 v3, $0x3  }
0x2d: {  	v4 =	vmul.u32 $0x30, v61  }
0x2e: {  	v3 =	vand.u32 $0x7, v3  }
0x2f: {  	v3 =	vor.u32 v3, v4  }
0x30: {  	v4 =	vperm.xlane v3, v0;
	_ =	sdelay $0x1  }
0x31: {  	v4 =	vadd.s32 v1, v4;
	_ =	sdelay $0x3  }
0x32: {  	s21 =	simm.s32 $0x3100;
	v3 =	vperm.xlane v3, v2  }
0x33: {  	[tilespmem:s21], [sflag:$0x1] =	stream.indirect_vreg.gather [hbm4b:s3+s2], $0x80, v4, vm0, $0xb8;
	[tilespmem:$0xC100] =	vst v63  }
0x34: {  	s19 =	simm.s32 $0x3900;
	v3 =	vadd.s32 v1, v3  }
0x35: {  	[tilespmem:s19], [sflag:$0x1] =	stream.indirect_vreg.gather [hbm4b:s6+s2], $0x80, v4, vm0, $0xb8;
	[tilespmem:$0xC100] =	vst v63  }
0x36: {  	s20 =	simm.s32 $0x4100  }
0x37: {  	[tilespmem:s20], [sflag:$0x1] =	stream.indirect_vreg.gather [hbm4b:s7+s2], $0x80, v4, vm0, $0xb8;
	[tilespmem:$0xC100] =	vst v63  }
0x38: {  	s21 =	simm.s32 $0x4900  }
0x39: {  	[tilespmem:s21], [sflag:$0x1] =	stream.indirect_vreg.gather [hbm4b:s3+s2], $0x80, v3, vm0, $0xb8;
	[tilespmem:$0xC100] =	vst v63  }
0x3a: {  	_ = 	snop  }
0x3b: {  	[tilespmem:s22], [sflag:$0x1] =	stream.indirect_vreg.gather [hbm4b:s6+s2], $0x80, v3, vm0, $0xb8;
	[tilespmem:$0xC100] =	vst v63  }
0x3c: {  	_ = 	snop  }
0x3d: {  	[tilespmem:s23], [sflag:$0x1] =	stream.indirect_vreg.gather [hbm4b:s7+s2], $0x80, v3, vm0, $0xb8;
	[tilespmem:$0xC100] =	vst v63  }
0x3e: {  	v3 =	vld [tilespmem:$0x20];
	_ =	sdelay $0x4  }
0x3f: {  	v62 =	vshrl.u32 v3, $0x3  }
0x40: {  	v4 =	vmul.u32 $0x30, v62  }
0x41: {  	v3 =	vand.u32 $0x7, v3  }
0x42: {  	v3 =	vor.u32 v3, v4  }
0x43: {  	v4 =	vperm.xlane v3, v0;
	_ =	sdelay $0x1  }
0x44: {  	v4 =	vadd.s32 v1, v4;
	_ =	sdelay $0x3  }
0x45: {  	v3 =	vperm.xlane v3, v2  }
0x46: {  	[tilespmem:s24], [sflag:$0x1] =	stream.indirect_vreg.gather [hbm4b:s3+s2], $0x80, v4, vm0, $0xb8;
	[tilespmem:$0xC100] =	vst v63  }
0x47: {  	v3 =	vadd.s32 v1, v3  }
0x48: {  	[tilespmem:s25], [sflag:$0x1] =	stream.indirect_vreg.gather [hbm4b:s6+s2], $0x80, v4, vm0, $0xb8;
	[tilespmem:$0xC100] =	vst v63  }
0x49: {  	_ = 	snop  }
0x4a: {  	[tilespmem:s26], [sflag:$0x1] =	stream.indirect_vreg.gather [hbm4b:s7+s2], $0x80, v4, vm0, $0xb8;
	[tilespmem:$0xC100] =	vst v63  }
0x4b: {  	_ = 	snop  }
0x4c: {  	[tilespmem:s28], [sflag:$0x1] =	stream.indirect_vreg.gather [hbm4b:s3+s2], $0x80, v3, vm0, $0xb8;
	[tilespmem:$0xC100] =	vst v63  }
0x4d: {  	_ = 	snop  }
0x4e: {  	[tilespmem:s29], [sflag:$0x1] =	stream.indirect_vreg.gather [hbm4b:s6+s2], $0x80, v3, vm0, $0xb8;
	[tilespmem:$0xC100] =	vst v63  }
0x4f: {  	_ = 	snop  }
0x50: {  	[tilespmem:s30], [sflag:$0x1] =	stream.indirect_vreg.gather [hbm4b:s7+s2], $0x80, v3, vm0, $0xb8;
	[tilespmem:$0xC100] =	vst v63  }
0x51: {  	v3 =	vld [tilespmem:$0x30];
	_ =	sdelay $0x4  }
0x52: {  	v63 =	vshrl.u32 v3, $0x3  }
0x53: {  	v4 =	vmul.u32 $0x30, v63  }
0x54: {  	v3 =	vand.u32 $0x7, v3  }
0x55: {  	v3 =	vor.u32 v3, v4  }
0x56: {  	v4 =	vperm.xlane v3, v0;
	_ =	sdelay $0x1  }
0x57: {  	v4 =	vadd.s32 v1, v4;
	_ =	sdelay $0x3  }
0x58: {  	v3 =	vperm.xlane v3, v2  }
0x59: {  	[tilespmem:s31], [sflag:$0x1] =	stream.indirect_vreg.gather [hbm4b:s3+s2], $0x80, v4, vm0, $0xb8;
	[tilespmem:$0xC100] =	vst v63  }
0x5a: {  	v3 =	vadd.s32 v1, v3  }
0x5b: {  	[tilespmem:s0], [sflag:$0x1] =	stream.indirect_vreg.gather [hbm4b:s6+s2], $0x80, v4, vm0, $0xb8;
	[tilespmem:$0xC100] =	vst v63  }
0x5c: {  	_ = 	snop  }
0x5d: {  	[tilespmem:s1], [sflag:$0x1] =	stream.indirect_vreg.gather [hbm4b:s7+s2], $0x80, v4, vm0, $0xb8;
	[tilespmem:$0xC100] =	vst v63  }
0x5e: {  	_ = 	snop  }
0x5f: {  	[tilespmem:s13], [sflag:$0x1] =	stream.indirect_vreg.gather [hbm4b:s3+s2], $0x80, v3, vm0, $0xb8;
	[tilespmem:$0xC100] =	vst v63  }
0x60: {  	_ = 	snop  }
0x61: {  	[tilespmem:s14], [sflag:$0x1] =	stream.indirect_vreg.gather [hbm4b:s6+s2], $0x80, v3, vm0, $0xb8;
	[tilespmem:$0xC100] =	vst v63  }
0x62: {  	_ = 	snop  }
0x63: {  	[tilespmem:s15], [sflag:$0x1] =	stream.indirect_vreg.gather [hbm4b:s7+s2], $0x80, v3, vm0, $0xb8;
	[tilespmem:$0xC100] =	vst v63  }
0x64: {  	_ =	swait.ge [sflag:s16], $0xC000  }
0x65: {  	[sflag:s16] =	ssyncset.done $0x0  }
0x66: {  	s18 =	simm.s32 $0x0;
	s19 =	simm.s32 $0x0;
	[sflag:s16] =	ssyncadd.s32 $0xFFFF4000  }
.LBB2_2:
0x67: {  	v3 =	vmov s19  }
0x68: {  	s20 =	sshrl.u32 s19, $0x3  }
0x69: {  	s20 =	smul.u32 $0x6000, s20;
	_ =	sdelay $0x1  }
0x6a: {  	s21 =	sand.u32 $0x380, s18;
	s20 =	sshra.s32 s20, $0x2  }
0x6b: {  	s20 =	sor.u32 s21, s20;
	v3 =	vld.idx.msk [tilespmem:v3+s11+$0x0], $0xffff  }
0x6c: {  	v4 =	vld [tilespmem:s20+$0x100]  }
0x6d: {  	v5 =	vld [tilespmem:s20+$0x110]  }
0x6e: {  	v6 =	vld [tilespmem:s20+$0x120]  }
0x6f: {  	v7 =	vld [tilespmem:s20+$0x130]  }
0x70: {  	v8 =	vld [tilespmem:s20+$0x140]  }
0x71: {  	v9 =	vld [tilespmem:s20+$0x150];
	v4 =	vmul.f32 v4, v3  }
0x72: {  	v10 =	vld [tilespmem:s20+$0x160];
	v5 =	vmul.f32 v5, v3  }
0x73: {  	v31 =	vld [tilespmem:s20+$0x170];
	v30 =	vmul.f32 v6, v3;
	[tilespmem:s20+$0x100] =	vst v4  }
0x74: {  	v33 =	vld [tilespmem:s20+$0x500];
	v32 =	vmul.f32 v7, v3;
	[tilespmem:s20+$0x110] =	vst v5  }
0x75: {  	v35 =	vld [tilespmem:s20+$0x510];
	v34 =	vmul.f32 v8, v3;
	[tilespmem:s20+$0x120] =	vst v30  }
0x76: {  	v37 =	vld [tilespmem:s20+$0x520];
	v36 =	vmul.f32 v9, v3;
	[tilespmem:s20+$0x130] =	vst v32  }
0x77: {  	v39 =	vld [tilespmem:s20+$0x530];
	v38 =	vmul.f32 v10, v3;
	[tilespmem:s20+$0x140] =	vst v34  }
0x78: {  	v41 =	vld [tilespmem:s20+$0x540];
	v40 =	vmul.f32 v31, v3;
	[tilespmem:s20+$0x150] =	vst v36  }
0x79: {  	v43 =	vld [tilespmem:s20+$0x550];
	v42 =	vmul.f32 v33, v3;
	[tilespmem:s20+$0x160] =	vst v38  }
0x7a: {  	v45 =	vld [tilespmem:s20+$0x560];
	v44 =	vmul.f32 v35, v3;
	[tilespmem:s20+$0x170] =	vst v40  }
0x7b: {  	v47 =	vld [tilespmem:s20+$0x570];
	v46 =	vmul.f32 v37, v3;
	[tilespmem:s20+$0x500] =	vst v42  }
0x7c: {  	v49 =	vld [tilespmem:s20+$0x900];
	v48 =	vmul.f32 v39, v3;
	[tilespmem:s20+$0x510] =	vst v44  }
0x7d: {  	v51 =	vld [tilespmem:s20+$0x910];
	v50 =	vmul.f32 v41, v3;
	[tilespmem:s20+$0x520] =	vst v46  }
0x7e: {  	v53 =	vld [tilespmem:s20+$0x920];
	v52 =	vmul.f32 v43, v3;
	[tilespmem:s20+$0x530] =	vst v48  }
0x7f: {  	v55 =	vld [tilespmem:s20+$0x930];
	v54 =	vmul.f32 v45, v3;
	[tilespmem:s20+$0x540] =	vst v50  }
0x80: {  	v57 =	vld [tilespmem:s20+$0x940];
	v56 =	vmul.f32 v47, v3;
	[tilespmem:s20+$0x550] =	vst v52  }
0x81: {  	v59 =	vld [tilespmem:s20+$0x950];
	v58 =	vmul.f32 v49, v3;
	[tilespmem:s20+$0x560] =	vst v54  }
0x82: {  	v61 =	vld [tilespmem:s20+$0x960];
	v60 =	vmul.f32 v51, v3;
	[tilespmem:s20+$0x570] =	vst v56  }
0x83: {  	v63 =	vld [tilespmem:s20+$0x970];
	v62 =	vmul.f32 v53, v3;
	[tilespmem:s20+$0x900] =	vst v58  }
0x84: {  	v13 =	vld [tilespmem:s20+$0xD00];
	v12 =	vmul.f32 v55, v3;
	[tilespmem:s20+$0x910] =	vst v60  }
0x85: {  	v15 =	vld [tilespmem:s20+$0xD10];
	v14 =	vmul.f32 v57, v3;
	[tilespmem:s20+$0x920] =	vst v62  }
0x86: {  	v17 =	vld [tilespmem:s20+$0xD20];
	v16 =	vmul.f32 v59, v3;
	[tilespmem:s20+$0x930] =	vst v12  }
0x87: {  	v19 =	vld [tilespmem:s20+$0xD30];
	v18 =	vmul.f32 v61, v3;
	[tilespmem:s20+$0x940] =	vst v14  }
0x88: {  	v21 =	vld [tilespmem:s20+$0xD40];
	v20 =	vmul.f32 v63, v3;
	[tilespmem:s20+$0x950] =	vst v16  }
0x89: {  	v23 =	vld [tilespmem:s20+$0xD50];
	v22 =	vmul.f32 v13, v3;
	[tilespmem:s20+$0x960] =	vst v18  }
0x8a: {  	v25 =	vld [tilespmem:s20+$0xD60];
	v24 =	vmul.f32 v15, v3;
	[tilespmem:s20+$0x970] =	vst v20  }
0x8b: {  	v27 =	vld [tilespmem:s20+$0xD70];
	v26 =	vmul.f32 v17, v3;
	[tilespmem:s20+$0xD00] =	vst v22  }
0x8c: {  	v29 =	vld [tilespmem:s20+$0x1100];
	v28 =	vmul.f32 v19, v3;
	[tilespmem:s20+$0xD10] =	vst v24  }
0x8d: {  	v31 =	vld [tilespmem:s20+$0x1110];
	[tilespmem:s20+$0xD20] =	vst v26;
	v30 =	vmul.f32 v21, v3  }
0x8e: {  	v33 =	vld [tilespmem:s20+$0x1120];
	[tilespmem:s20+$0xD30] =	vst v28;
	v32 =	vmul.f32 v23, v3  }
0x8f: {  	v35 =	vld [tilespmem:s20+$0x1130];
	v34 =	vmul.f32 v25, v3;
	[tilespmem:s20+$0xD40] =	vst v30  }
0x90: {  	v37 =	vld [tilespmem:s20+$0x1140];
	v36 =	vmul.f32 v27, v3;
	[tilespmem:s20+$0xD50] =	vst v32  }
0x91: {  	v39 =	vld [tilespmem:s20+$0x1150];
	v38 =	vmul.f32 v29, v3;
	[tilespmem:s20+$0xD60] =	vst v34  }
0x92: {  	v41 =	vld [tilespmem:s20+$0x1160];
	[tilespmem:s20+$0xD70] =	vst v36;
	v40 =	vmul.f32 v31, v3  }
0x93: {  	v43 =	vld [tilespmem:s20+$0x1170];
	[tilespmem:s20+$0x1100] =	vst v38;
	v42 =	vmul.f32 v33, v3  }
0x94: {  	v45 =	vld [tilespmem:s20+$0x1500];
	v44 =	vmul.f32 v35, v3;
	[tilespmem:s20+$0x1110] =	vst v40  }
0x95: {  	v47 =	vld [tilespmem:s20+$0x1510];
	v46 =	vmul.f32 v37, v3;
	[tilespmem:s20+$0x1120] =	vst v42  }
0x96: {  	v49 =	vld [tilespmem:s20+$0x1520];
	v48 =	vmul.f32 v39, v3;
	[tilespmem:s20+$0x1130] =	vst v44  }
0x97: {  	v51 =	vld [tilespmem:s20+$0x1530];
	v50 =	vmul.f32 v41, v3;
	[tilespmem:s20+$0x1140] =	vst v46  }
0x98: {  	v53 =	vld [tilespmem:s20+$0x1540];
	v52 =	vmul.f32 v43, v3;
	[tilespmem:s20+$0x1150] =	vst v48  }
0x99: {  	v55 =	vld [tilespmem:s20+$0x1550];
	v54 =	vmul.f32 v45, v3;
	[tilespmem:s20+$0x1160] =	vst v50  }
0x9a: {  	v57 =	vld [tilespmem:s20+$0x1560];
	v56 =	vmul.f32 v47, v3;
	[tilespmem:s20+$0x1170] =	vst v52  }
0x9b: {  	v59 =	vld [tilespmem:s20+$0x1570];
	v58 =	vmul.f32 v49, v3;
	[tilespmem:s20+$0x1500] =	vst v54  }
0x9c: {  	v60 =	vmul.f32 v51, v3;
	[tilespmem:s20+$0x1510] =	vst v56  }
0x9d: {  	p0 =	sne.s32 s19, $0x3F;
	v61 =	vmul.f32 v53, v3;
	[tilespmem:s20+$0x1520] =	vst v58  }
.Ltmp0:
0x9e: {  	v62 =	vmul.f32 v55, v3;
	[tilespmem:s20+$0x1530] =	vst v60;
	(pc) =	sbr.rel @p0 .LBB2_2-.Ltmp0, $4  }
0x9f: {  	v63 =	vmul.f32 v57, v3;
	[tilespmem:s20+$0x1540] =	vst v61  }
0xa0: {  	v3 =	vmul.f32 v59, v3;
	[tilespmem:s20+$0x1550] =	vst v62  }
0xa1: {  	[tilespmem:s20+$0x1560] =	vst v63  }
0xa2: {  	s18 =	sadd.s32 $0x80, s18;
	s19 =	sadd.s32 $0x1, s19;
	[tilespmem:s20+$0x1570] =	vst v3  }
0xa3: {  	s17 =	sadd.s32 $0x1, s17  }
0xa4: {  	p0 =	sne.s32 s17, s9  }
.Ltmp1:
0xa5: {  	_ = 	snop;
	(pc) =	sbr.rel @p0 .LBB2_1-.Ltmp1, $4  }
0xa6: {  	[hbm4b:s8+s2] =	stream.linear.scatter [tilespmem:s12], [sflag:$0x2], $0xC000, $0x38;
	[tilespmem:$0xC100] =	vst v63  }
0xa7: {  	_ =	swait.ge [sflag:s10], $0xC000  }
0xa8: {  	[sflag:s10] =	ssyncset.done $0x0  }
0xa9: {  	[sflag:s10] =	ssyncadd.s32 $0xFFFF4000  }
0xaa: {  	_ =	sfence.sel $0x180000  }
0xab: {  	[bflag:$0x0] =	sbarrier.arrive $0xFFFF  }
0xac: {  	_ =	strace $0x9000004A  }
0xad: {  	s0 =	stileid.u32;
	[bflag:$0x2] =	sbarrier.arrive $0xFFFF  }
0xae: {  	p0 =	sne.s32 s0, $0x0;
	s0 =	rddreg [dreg:$0x2]  }
0xaf: {  	s0 =	sadd.s32 @!p0 $0x100000, s0  }
0xb0: {  	[sflag:s0] =	ssyncadd.tile.s32 @!p0 $0x1;
	_ =	shalt  }
.Lfunc_end2:
_tile_overlayer_lowered:
.L_overlay_start_2:
0xb1: {  	(tag) =	ssettag $0x2  }
0xb2: {  	s0 =	rddreg [dreg:$0x0];
	s2 =	stileid.u32  }
0xb3: {  	s1 =	rddreg [dreg:$0x1];
	p0 =	sne.s32 s2, $0x0  }
0xb4: {  	s3 =	rddreg [dreg:$0x2];
	[bflag:$0x3] =	sbarrier.arrive $0xFFFF;
	s2 =	simm.s32 @!p0 $0x1C02  }
0xb5: {  	[timem:s3], [sflag:s2] =	dma.local @!p0 [hbm:s0], s1  }
0xb6: {  	s0 =	simm.s32 @!p0 $0x2  }
0xb7: {  	_ =	swait.ge @!p0 [sflag:s0], s1  }
0xb8: {  	s1 =	ssub.s32 @!p0 $0x0, s1;
	[sflag:s0] =	ssyncset.done @!p0 $0x0  }
0xb9: {  	[sflag:s0] =	ssyncadd.s32 @!p0 s1  }
0xba: {  	[bflag:$0x3] =	sbarrier.arrive $0xFFFF  }
0xbb: {  	_ =	shalt  }

</sc_bundles>
